<compile_context>
chip_gen: v7x
topology: tpu7x:2x2x1
jax: 0.10.2.dev20260603
libtpu: 0.0.44.dev20260713+nightly
codegen_flags: <defaults>
</compile_context>

<pallas_src>
import functools

import jax
import jax.numpy as jnp
from jax import lax
from jax.experimental import pallas as pl
from jax.experimental.pallas import tpu as pltpu
from jax.experimental.pallas import tpu_sc as plsc

B, N, C, K = 8, 2048, 64, 20
R = 256

NW = 32
GPW = B * K // NW
CH = 128
NCH = N // CH


def _topk_body(x_ref, xt_ref, xsqr_ref, xsqc_ref, idx_ref):
    b = pl.program_id(0)
    xr = x_ref[0]
    xt = xt_ref[0]
    d = 2.0 * jnp.dot(xr, xt, preferred_element_type=jnp.float32)
    d = d - xsqr_ref[0]
    d = d - xsqc_ref[0]
    col = lax.broadcasted_iota(jnp.int32, (R, N), 1)
    base = b * N
    for k in range(K):
        a = jnp.argmax(d, axis=1).astype(jnp.int32)
        idx_ref[0, :, k] = a + base
        d = jnp.where(col == a[:, None], -jnp.inf, d)


def _topk_call(x, xt, xsq):
    return pl.pallas_call(
        _topk_body,
        grid=(B, N // R),
        in_specs=[
            pl.BlockSpec((1, R, C), lambda b, i: (b, i, 0)),
            pl.BlockSpec((1, C, N), lambda b, i: (b, 0, 0)),
            pl.BlockSpec((1, R, 1), lambda b, i: (b, i, 0)),
            pl.BlockSpec((1, 1, N), lambda b, i: (b, 0, 0)),
        ],
        out_specs=pl.BlockSpec((1, R, K), lambda b, i: (b, i, 0)),
        out_shape=jax.ShapeDtypeStruct((B, N, K), jnp.int32),
    )(x, xt, xsq, xsq.reshape(B, 1, N))


def _sc_gather_body(x_hbm, idx_hbm, out_hbm, idx_all, self_v, comb_v,
                    gsems, osems):
    c = lax.axis_index("c")
    s = lax.axis_index("s")
    wid = s * 2 + c
    b = wid // (NW // B)

    pltpu.sync_copy(idx_hbm.at[pl.ds(wid * GPW * N // 128, GPW * N // 128)],
                    idx_all)

    def out_slice(j, t):
        return out_hbm.at[pl.ds((wid * GPW + j) * N + t * CH, CH)]

    def cblk(j):
        return comb_v.at[pl.ds(j * CH, CH)]

    def tloop(t, carry):
        pltpu.sync_copy(x_hbm.at[pl.ds(b * N + t * CH, CH)], self_v)
        gathers = []
        for j in range(GPW):
            @pl.when(t > 0)
            def _wait_out(j=j):
                pltpu.make_async_copy(cblk(j), out_slice(j, t - 1),
                                      osems[j]).wait()
            gathers.append(
                pltpu.async_copy(x_hbm.at[idx_all.at[j * NCH + t, 0]],
                                 cblk(j), gsems[j]))
        for j in range(GPW):
            gathers[j].wait()

            def rep(r, carry2, j=j):
                for q in range(C // 16):
                    comb_v[j * CH + r, pl.ds(C + q * 16, 16)] = (
                        self_v[r, pl.ds(q * 16, 16)])
                return carry2

            lax.fori_loop(0, CH, rep, 0)
            pltpu.async_copy(cblk(j), out_slice(j, t), osems[j])
        return carry

    lax.fori_loop(0, NCH, tloop, 0)
    for j in range(GPW):
        pltpu.make_async_copy(cblk(j), out_slice(j, NCH - 1), osems[j]).wait()


_sc_gather = functools.partial(
    pl.kernel,
    out_type=jax.ShapeDtypeStruct((B * N * K, 2 * C), jnp.float32),
    mesh=plsc.VectorSubcoreMesh(core_axis_name="c", subcore_axis_name="s"),
    scratch_types=[
        pltpu.VMEM((GPW * N // 128, 1, 128), jnp.int32),
        pltpu.VMEM((CH, 2 * C), jnp.float32),
        pltpu.VMEM((GPW * CH, 2 * C), jnp.float32),
        [pltpu.SemaphoreType.DMA] * GPW,
        [pltpu.SemaphoreType.DMA] * GPW,
    ],
)(_sc_gather_body)


def kernel(x):
    xt = jnp.transpose(x, (0, 2, 1))
    xsq = jnp.sum(x ** 2, axis=2, keepdims=True)
    idx = _topk_call(x, xt, xsq)
    xf = x.reshape(B * N, C)
    xx = jnp.concatenate([xf, xf], axis=1)
    idxt = jnp.transpose(idx, (0, 2, 1)).reshape(B * K * N // 128, 1, 128)
    out = _sc_gather(xx, idxt)
    return jnp.transpose(out.reshape(B, K, N, 2 * C), (0, 2, 1, 3))

# --- scband reference (transcript-rebuilt; emitter-appended) ---
"""Pipeline reference for scband-graph-feature-5257039970655 (READ-ONLY COPY).

The authoritative reference and input builder live on the scoring server;
editing this copy changes nothing except your own understanding.
"""

import jax, jax.numpy as jnp
import numpy as np

K = 20

def setup_inputs(seed: int = 0) -> dict:
    key = jax.random.key(seed)
    x = jax.random.normal(key, (8, 2048, 64), dtype=jnp.float32)
    return {"x": x}

def reference(x):
    # x: [B, N, C]
    x_trans = jnp.transpose(x, (0, 2, 1))                      # [B, C, N]
    x_sq = jnp.sum(x ** 2, axis=2, keepdims=True)              # [B, N, 1]
    pair_dist = 2 * jnp.matmul(x, x_trans) - x_sq - jnp.transpose(x_sq, (0, 2, 1))  # [B, N, N]
    _, knn_idx = jax.lax.top_k(pair_dist, K)                   # [B, N, K]
    # gather with batch_dims=1: edge_1[b,i,j,:] = x[b, knn_idx[b,i,j], :]
    edge_1 = jax.vmap(lambda xb, ib: xb[ib])(x, knn_idx)       # [B, N, K, C]
    edge_2 = jnp.repeat(jnp.expand_dims(x, 2), K, axis=2)      # [B, N, K, C]
    edge = jnp.concatenate([edge_1, edge_2], axis=-1)          # [B, N, K, 2C]
    return edge

if __name__ == "__main__":
    import jax
    _d = setup_inputs()
    print(jax.jit(kernel)(*tuple(_d.values())))

</pallas_src>

<mosaic_0001>
#map = affine_map<(d0, d1) -> (0, 0)>
#map1 = affine_map<(d0, d1) -> (0, 0, 0)>
module attributes {stable_mosaic.version = 14 : i64} {
  func.func @_sc_gather_body(%arg0: i32, %arg1: i32, %arg2: memref<16384x128xf32, #tpu.memory_space<hbm>>, %arg3: memref<2560x1x128xi32, #tpu.memory_space<hbm>>, %arg4: memref<327680x128xf32, #tpu.memory_space<hbm>>, %arg5: memref<80x1x128xi32, #tpu.memory_space<vmem>>, %arg6: memref<128x128xf32, #tpu.memory_space<vmem>>, %arg7: memref<640x128xf32, #tpu.memory_space<vmem>>, %arg8: memref<!tpu.dma_semaphore, #tpu.memory_space<semaphore_mem>>, %arg9: memref<!tpu.dma_semaphore, #tpu.memory_space<semaphore_mem>>, %arg10: memref<!tpu.dma_semaphore, #tpu.memory_space<semaphore_mem>>, %arg11: memref<!tpu.dma_semaphore, #tpu.memory_space<semaphore_mem>>, %arg12: memref<!tpu.dma_semaphore, #tpu.memory_space<semaphore_mem>>, %arg13: memref<!tpu.dma_semaphore, #tpu.memory_space<semaphore_mem>>, %arg14: memref<!tpu.dma_semaphore, #tpu.memory_space<semaphore_mem>>, %arg15: memref<!tpu.dma_semaphore, #tpu.memory_space<semaphore_mem>>, %arg16: memref<!tpu.dma_semaphore, #tpu.memory_space<semaphore_mem>>, %arg17: memref<!tpu.dma_semaphore, #tpu.memory_space<semaphore_mem>>) attributes {dimension_semantics = [#tpu.dimension_semantics<core_parallel>, #tpu.dimension_semantics<subcore_parallel>], iteration_bounds = array<i64: 2, 16>, scalar_prefetch = 0 : i64, scratch_operands = 13 : i64, tpu.core_type = #tpu.core_type<sc_vector_subcore>, window_params = [{transform_indices = #map}, {transform_indices = #map1}, {transform_indices = #map}]} {
    %mul3A = arith.constant 2 : i32
    %mul3A_0 = arith.muli %arg1, %mul3A : i32
    %add3A = arith.addi %mul3A_0, %arg0 : i32
    %jit3A = arith.constant 4 : i32
    %div3A = arith.divsi %add3A, %jit3A : i32
    %sign3A = arith.constant 0 : i32
    %sign3A_1 = arith.cmpi sgt, %add3A, %sign3A : i32
    %sign3A_2 = arith.extui %sign3A_1 : i1 to i32
    %sign3A_3 = arith.constant 0 : i32
    %sign3A_4 = arith.cmpi slt, %add3A, %sign3A_3 : i32
    %sign3A_5 = arith.extui %sign3A_4 : i1 to i32
    %sign3A_6 = arith.subi %sign3A_2, %sign3A_5 : i32
    %sign3A_7 = arith.constant 0 : i32
    %sign3A_8 = arith.cmpi sgt, %jit3A, %sign3A_7 : i32
    %sign3A_9 = arith.extui %sign3A_8 : i1 to i32
    %sign3A_10 = arith.constant 0 : i32
    %sign3A_11 = arith.cmpi slt, %jit3A, %sign3A_10 : i32
    %sign3A_12 = arith.extui %sign3A_11 : i1 to i32
    %sign3A_13 = arith.subi %sign3A_9, %sign3A_12 : i32
    %ne3A = arith.cmpi ne, %sign3A_6, %sign3A_13 : i32
    %rem3A = arith.remsi %add3A, %jit3A : i32
    %ne3A_14 = arith.constant 0 : i32
    %ne3A_15 = arith.cmpi ne, %rem3A, %ne3A_14 : i32
    %and3A = arith.andi %ne3A, %ne3A_15 : i1
    %sub3A = arith.constant 1 : i32
    %sub3A_16 = arith.subi %div3A, %sub3A : i32
    %select_n3A = arith.select %and3A, %sub3A_16, %div3A : i32
    %mul3A_17 = arith.constant 5 : i32
    %mul3A_18 = arith.muli %add3A, %mul3A_17 : i32
    %mul3A_19 = arith.constant 2048 : i32
    %mul3A_20 = arith.muli %mul3A_18, %mul3A_19 : i32
    %jit3A_21 = arith.constant 128 : i32
    %div3A_22 = arith.divsi %mul3A_20, %jit3A_21 : i32
    %sign3A_23 = arith.constant 0 : i32
    %sign3A_24 = arith.cmpi sgt, %mul3A_20, %sign3A_23 : i32
    %sign3A_25 = arith.extui %sign3A_24 : i1 to i32
    %sign3A_26 = arith.constant 0 : i32
    %sign3A_27 = arith.cmpi slt, %mul3A_20, %sign3A_26 : i32
    %sign3A_28 = arith.extui %sign3A_27 : i1 to i32
    %sign3A_29 = arith.subi %sign3A_25, %sign3A_28 : i32
    %sign3A_30 = arith.constant 0 : i32
    %sign3A_31 = arith.cmpi sgt, %jit3A_21, %sign3A_30 : i32
    %sign3A_32 = arith.extui %sign3A_31 : i1 to i32
    %sign3A_33 = arith.constant 0 : i32
    %sign3A_34 = arith.cmpi slt, %jit3A_21, %sign3A_33 : i32
    %sign3A_35 = arith.extui %sign3A_34 : i1 to i32
    %sign3A_36 = arith.subi %sign3A_32, %sign3A_35 : i32
    %ne3A_37 = arith.cmpi ne, %sign3A_29, %sign3A_36 : i32
    %rem3A_38 = arith.remsi %mul3A_20, %jit3A_21 : i32
    %ne3A_39 = arith.constant 0 : i32
    %ne3A_40 = arith.cmpi ne, %rem3A_38, %ne3A_39 : i32
    %and3A_41 = arith.andi %ne3A_37, %ne3A_40 : i1
    %sub3A_42 = arith.constant 1 : i32
    %sub3A_43 = arith.subi %div3A_22, %sub3A_42 : i32
    %select_n3A_44 = arith.select %and3A_41, %sub3A_43, %div3A_22 : i32
    "tpu.region"() ({
      %run_scoped3A = tpu.sem_alloc : memref<!tpu.dma_semaphore, #tpu.memory_space<semaphore_mem>>
      %dma_start3A = arith.constant 0 : i32
      %dma_start3A_139 = arith.constant 0 : i32
      %dma_start3A_140 = tpu.memref_slice %arg3[%select_n3A_44, %dma_start3A, %dma_start3A_139] : memref<2560x1x128xi32, #tpu.memory_space<hbm>> -> memref<80x1x128xi32, #tpu.memory_space<hbm>>
      %dma_start3A_141 = arith.constant 0 : i32
      %dma_start3A_142 = arith.constant 0 : i32
      %dma_start3A_143 = tpu.memref_slice %arg3[%select_n3A_44, %dma_start3A_141, %dma_start3A_142] : memref<2560x1x128xi32, #tpu.memory_space<hbm>> -> memref<80x1x128xi32, #tpu.memory_space<hbm>>
      tpu.enqueue_dma source(%dma_start3A_143 : memref<80x1x128xi32, #tpu.memory_space<hbm>>) target(%arg5 : memref<80x1x128xi32, #tpu.memory_space<vmem>>) target_semaphore(%run_scoped3A : memref<!tpu.dma_semaphore, #tpu.memory_space<semaphore_mem>>)
      %dma_wait3A_144 = arith.constant 0 : i32
      %dma_wait3A_145 = arith.constant 0 : i32
      %dma_wait3A_146 = tpu.memref_slice %arg3[%select_n3A_44, %dma_wait3A_144, %dma_wait3A_145] : memref<2560x1x128xi32, #tpu.memory_space<hbm>> -> memref<80x1x128xi32, #tpu.memory_space<hbm>>
      %dma_wait3A_147 = arith.constant 0 : i32
      %dma_wait3A_148 = arith.constant 0 : i32
      %dma_wait3A_149 = tpu.memref_slice %arg3[%select_n3A_44, %dma_wait3A_147, %dma_wait3A_148] : memref<2560x1x128xi32, #tpu.memory_space<hbm>> -> memref<80x1x128xi32, #tpu.memory_space<hbm>>
      tpu.wait_dma2 semaphore(%run_scoped3A : memref<!tpu.dma_semaphore, #tpu.memory_space<semaphore_mem>>) src(%dma_wait3A_149 : memref<80x1x128xi32, #tpu.memory_space<hbm>>) dst(%arg5 : memref<80x1x128xi32, #tpu.memory_space<vmem>>)
      tpu.yield
    }) : () -> ()
    %scan3A = arith.constant 0 : i32
    %scan3A_45 = arith.constant 0 : i32
    %scan3A_46 = arith.constant 16 : i32
    %scan3A_47 = arith.addi %scan3A_45, %scan3A_46 : i32
    %scan3A_48 = arith.constant 1 : i32
    scf.for %scan3A_139 = %scan3A_45 to %scan3A_47 step %scan3A_48  : i32 {
      %mul3A_140 = arith.constant 2048 : i32
      %mul3A_141 = arith.muli %select_n3A, %mul3A_140 : i32
      %mul3A_142 = arith.constant 128 : i32
      %mul3A_143 = arith.muli %scan3A_139, %mul3A_142 : i32
      %add3A_144 = arith.addi %mul3A_141, %mul3A_143 : i32
      "tpu.region"() ({
        %run_scoped3A = tpu.sem_alloc : memref<!tpu.dma_semaphore, #tpu.memory_space<semaphore_mem>>
        %dma_start3A_401 = arith.constant 0 : i32
        %dma_start3A_402 = tpu.memref_slice %arg2[%add3A_144, %dma_start3A_401] : memref<16384x128xf32, #tpu.memory_space<hbm>> -> memref<128x128xf32, #tpu.memory_space<hbm>>
        %dma_start3A_403 = arith.constant 0 : i32
        %dma_start3A_404 = tpu.memref_slice %arg2[%add3A_144, %dma_start3A_403] : memref<16384x128xf32, #tpu.memory_space<hbm>> -> memref<128x128xf32, #tpu.memory_space<hbm>>
        tpu.enqueue_dma source(%dma_start3A_404 : memref<128x128xf32, #tpu.memory_space<hbm>>) target(%arg6 : memref<128x128xf32, #tpu.memory_space<vmem>>) target_semaphore(%run_scoped3A : memref<!tpu.dma_semaphore, #tpu.memory_space<semaphore_mem>>)
        %dma_wait3A_405 = arith.constant 0 : i32
        %dma_wait3A_406 = tpu.memref_slice %arg2[%add3A_144, %dma_wait3A_405] : memref<16384x128xf32, #tpu.memory_space<hbm>> -> memref<128x128xf32, #tpu.memory_space<hbm>>
        %dma_wait3A_407 = arith.constant 0 : i32
        %dma_wait3A_408 = tpu.memref_slice %arg2[%add3A_144, %dma_wait3A_407] : memref<16384x128xf32, #tpu.memory_space<hbm>> -> memref<128x128xf32, #tpu.memory_space<hbm>>
        tpu.wait_dma2 semaphore(%run_scoped3A : memref<!tpu.dma_semaphore, #tpu.memory_space<semaphore_mem>>) src(%dma_wait3A_408 : memref<128x128xf32, #tpu.memory_space<hbm>>) dst(%arg6 : memref<128x128xf32, #tpu.memory_space<vmem>>)
        tpu.yield
      }) : () -> ()
      %gt3A = arith.constant 0 : i32
      %gt3A_145 = arith.cmpi sgt, %scan3A_139, %gt3A : i32
      %convert_element_type3A = arith.extui %gt3A_145 : i1 to i32
      %cond3A = arith.constant 0 : i32
      %cond3A_146 = arith.cmpi ne, %convert_element_type3A, %cond3A : i32
      scf.if %cond3A_146 {
        %sub3A_401 = arith.constant 1 : i32
        %sub3A_402 = arith.subi %scan3A_139, %sub3A_401 : i32
        %mul3A_403 = arith.constant 5 : i32
        %mul3A_404 = arith.muli %add3A, %mul3A_403 : i32
        %add3A_405 = arith.constant 0 : i32
        %add3A_406 = arith.addi %mul3A_404, %add3A_405 : i32
        %mul3A_407 = arith.constant 2048 : i32
        %mul3A_408 = arith.muli %add3A_406, %mul3A_407 : i32
        %mul3A_409 = arith.constant 128 : i32
        %mul3A_410 = arith.muli %sub3A_402, %mul3A_409 : i32
        %add3A_411 = arith.addi %mul3A_408, %mul3A_410 : i32
        %dma_wait3A_412 = arith.constant 0 : i32
        %dma_wait3A_413 = arith.constant 0 : i32
        %dma_wait3A_414 = tpu.memref_slice %arg7[%dma_wait3A_412, %dma_wait3A_413] : memref<640x128xf32, #tpu.memory_space<vmem>> -> memref<128x128xf32, #tpu.memory_space<vmem>>
        %dma_wait3A_415 = arith.constant 0 : i32
        %dma_wait3A_416 = tpu.memref_slice %arg4[%add3A_411, %dma_wait3A_415] : memref<327680x128xf32, #tpu.memory_space<hbm>> -> memref<128x128xf32, #tpu.memory_space<hbm>>
        %dma_wait3A_417 = arith.constant 0 : i32
        %dma_wait3A_418 = tpu.memref_slice %arg4[%add3A_411, %dma_wait3A_417] : memref<327680x128xf32, #tpu.memory_space<hbm>> -> memref<128x128xf32, #tpu.memory_space<hbm>>
        %dma_wait3A_419 = arith.constant 0 : i32
        %dma_wait3A_420 = arith.constant 0 : i32
        %dma_wait3A_421 = tpu.memref_slice %arg7[%dma_wait3A_419, %dma_wait3A_420] : memref<640x128xf32, #tpu.memory_space<vmem>> -> memref<128x128xf32, #tpu.memory_space<vmem>>
        tpu.wait_dma2 semaphore(%arg13 : memref<!tpu.dma_semaphore, #tpu.memory_space<semaphore_mem>>) src(%dma_wait3A_421 : memref<128x128xf32, #tpu.memory_space<vmem>>) dst(%dma_wait3A_418 : memref<128x128xf32, #tpu.memory_space<hbm>>)
      } else {
      }
      %add3A_147 = arith.constant 0 : i32
      %add3A_148 = arith.addi %add3A_147, %scan3A_139 : i32
      %dma_start3A = arith.constant 0 : i32
      %dma_start3A_149 = arith.constant 0 : i32
      %dma_start3A_150 = arith.constant 0 : i32
      %dma_start3A_151 = tpu.memref_slice %arg7[%dma_start3A_149, %dma_start3A_150] : memref<640x128xf32, #tpu.memory_space<vmem>> -> memref<128x128xf32, #tpu.memory_space<vmem>>
      %dma_start3A_152 = arith.constant 0 : i32
      %dma_start3A_153 = tpu.memref_slice %arg5[%add3A_148, %dma_start3A, %dma_start3A_152] : memref<80x1x128xi32, #tpu.memory_space<vmem>> -> memref<1x1x128xi32, #tpu.memory_space<vmem>>
      %dma_start3A_154 = tpu.memref_squeeze %dma_start3A_153 : memref<1x1x128xi32, #tpu.memory_space<vmem>> -> memref<128xi32, #tpu.memory_space<vmem>>
      %dma_start3A_155 = arith.constant 0 : i32
      %dma_start3A_156 = arith.constant 0 : i32
      %dma_start3A_157 = tpu.memref_slice %arg2[%dma_start3A_155, %dma_start3A_156] : memref<16384x128xf32, #tpu.memory_space<hbm>> -> memref<16384x128xf32, #tpu.memory_space<hbm>>
      tpu.enqueue_indirect_dma source(%dma_start3A_157 : memref<16384x128xf32, #tpu.memory_space<hbm>>) target(%dma_start3A_151 : memref<128x128xf32, #tpu.memory_space<vmem>>) offsets(%dma_start3A_154 : memref<128xi32, #tpu.memory_space<vmem>>) semaphore(%arg8 : memref<!tpu.dma_semaphore, #tpu.memory_space<semaphore_mem>>)
      %gt3A_158 = arith.constant 0 : i32
      %gt3A_159 = arith.cmpi sgt, %scan3A_139, %gt3A_158 : i32
      %convert_element_type3A_160 = arith.extui %gt3A_159 : i1 to i32
      %cond3A_161 = arith.constant 0 : i32
      %cond3A_162 = arith.cmpi ne, %convert_element_type3A_160, %cond3A_161 : i32
      scf.if %cond3A_162 {
        %sub3A_401 = arith.constant 1 : i32
        %sub3A_402 = arith.subi %scan3A_139, %sub3A_401 : i32
        %mul3A_403 = arith.constant 5 : i32
        %mul3A_404 = arith.muli %add3A, %mul3A_403 : i32
        %add3A_405 = arith.constant 1 : i32
        %add3A_406 = arith.addi %mul3A_404, %add3A_405 : i32
        %mul3A_407 = arith.constant 2048 : i32
        %mul3A_408 = arith.muli %add3A_406, %mul3A_407 : i32
        %mul3A_409 = arith.constant 128 : i32
        %mul3A_410 = arith.muli %sub3A_402, %mul3A_409 : i32
        %add3A_411 = arith.addi %mul3A_408, %mul3A_410 : i32
        %dma_wait3A_412 = arith.constant 128 : i32
        %dma_wait3A_413 = arith.constant 0 : i32
        %dma_wait3A_414 = tpu.memref_slice %arg7[%dma_wait3A_412, %dma_wait3A_413] : memref<640x128xf32, #tpu.memory_space<vmem>> -> memref<128x128xf32, #tpu.memory_space<vmem>>
        %dma_wait3A_415 = arith.constant 0 : i32
        %dma_wait3A_416 = tpu.memref_slice %arg4[%add3A_411, %dma_wait3A_415] : memref<327680x128xf32, #tpu.memory_space<hbm>> -> memref<128x128xf32, #tpu.memory_space<hbm>>
        %dma_wait3A_417 = arith.constant 0 : i32
        %dma_wait3A_418 = tpu.memref_slice %arg4[%add3A_411, %dma_wait3A_417] : memref<327680x128xf32, #tpu.memory_space<hbm>> -> memref<128x128xf32, #tpu.memory_space<hbm>>
        %dma_wait3A_419 = arith.constant 128 : i32
        %dma_wait3A_420 = arith.constant 0 : i32
        %dma_wait3A_421 = tpu.memref_slice %arg7[%dma_wait3A_419, %dma_wait3A_420] : memref<640x128xf32, #tpu.memory_space<vmem>> -> memref<128x128xf32, #tpu.memory_space<vmem>>
        tpu.wait_dma2 semaphore(%arg14 : memref<!tpu.dma_semaphore, #tpu.memory_space<semaphore_mem>>) src(%dma_wait3A_421 : memref<128x128xf32, #tpu.memory_space<vmem>>) dst(%dma_wait3A_418 : memref<128x128xf32, #tpu.memory_space<hbm>>)
      } else {
      }
      %add3A_163 = arith.constant 16 : i32
      %add3A_164 = arith.addi %add3A_163, %scan3A_139 : i32
      %dma_start3A_165 = arith.constant 0 : i32
      %dma_start3A_166 = arith.constant 128 : i32
      %dma_start3A_167 = arith.constant 0 : i32
      %dma_start3A_168 = tpu.memref_slice %arg7[%dma_start3A_166, %dma_start3A_167] : memref<640x128xf32, #tpu.memory_space<vmem>> -> memref<128x128xf32, #tpu.memory_space<vmem>>
      %dma_start3A_169 = arith.constant 0 : i32
      %dma_start3A_170 = tpu.memref_slice %arg5[%add3A_164, %dma_start3A_165, %dma_start3A_169] : memref<80x1x128xi32, #tpu.memory_space<vmem>> -> memref<1x1x128xi32, #tpu.memory_space<vmem>>
      %dma_start3A_171 = tpu.memref_squeeze %dma_start3A_170 : memref<1x1x128xi32, #tpu.memory_space<vmem>> -> memref<128xi32, #tpu.memory_space<vmem>>
      %dma_start3A_172 = arith.constant 0 : i32
      %dma_start3A_173 = arith.constant 0 : i32
      %dma_start3A_174 = tpu.memref_slice %arg2[%dma_start3A_172, %dma_start3A_173] : memref<16384x128xf32, #tpu.memory_space<hbm>> -> memref<16384x128xf32, #tpu.memory_space<hbm>>
      tpu.enqueue_indirect_dma source(%dma_start3A_174 : memref<16384x128xf32, #tpu.memory_space<hbm>>) target(%dma_start3A_168 : memref<128x128xf32, #tpu.memory_space<vmem>>) offsets(%dma_start3A_171 : memref<128xi32, #tpu.memory_space<vmem>>) semaphore(%arg9 : memref<!tpu.dma_semaphore, #tpu.memory_space<semaphore_mem>>)
      %gt3A_175 = arith.constant 0 : i32
      %gt3A_176 = arith.cmpi sgt, %scan3A_139, %gt3A_175 : i32
      %convert_element_type3A_177 = arith.extui %gt3A_176 : i1 to i32
      %cond3A_178 = arith.constant 0 : i32
      %cond3A_179 = arith.cmpi ne, %convert_element_type3A_177, %cond3A_178 : i32
      scf.if %cond3A_179 {
        %sub3A_401 = arith.constant 1 : i32
        %sub3A_402 = arith.subi %scan3A_139, %sub3A_401 : i32
        %mul3A_403 = arith.constant 5 : i32
        %mul3A_404 = arith.muli %add3A, %mul3A_403 : i32
        %add3A_405 = arith.constant 2 : i32
        %add3A_406 = arith.addi %mul3A_404, %add3A_405 : i32
        %mul3A_407 = arith.constant 2048 : i32
        %mul3A_408 = arith.muli %add3A_406, %mul3A_407 : i32
        %mul3A_409 = arith.constant 128 : i32
        %mul3A_410 = arith.muli %sub3A_402, %mul3A_409 : i32
        %add3A_411 = arith.addi %mul3A_408, %mul3A_410 : i32
        %dma_wait3A_412 = arith.constant 256 : i32
        %dma_wait3A_413 = arith.constant 0 : i32
        %dma_wait3A_414 = tpu.memref_slice %arg7[%dma_wait3A_412, %dma_wait3A_413] : memref<640x128xf32, #tpu.memory_space<vmem>> -> memref<128x128xf32, #tpu.memory_space<vmem>>
        %dma_wait3A_415 = arith.constant 0 : i32
        %dma_wait3A_416 = tpu.memref_slice %arg4[%add3A_411, %dma_wait3A_415] : memref<327680x128xf32, #tpu.memory_space<hbm>> -> memref<128x128xf32, #tpu.memory_space<hbm>>
        %dma_wait3A_417 = arith.constant 0 : i32
        %dma_wait3A_418 = tpu.memref_slice %arg4[%add3A_411, %dma_wait3A_417] : memref<327680x128xf32, #tpu.memory_space<hbm>> -> memref<128x128xf32, #tpu.memory_space<hbm>>
        %dma_wait3A_419 = arith.constant 256 : i32
        %dma_wait3A_420 = arith.constant 0 : i32
        %dma_wait3A_421 = tpu.memref_slice %arg7[%dma_wait3A_419, %dma_wait3A_420] : memref<640x128xf32, #tpu.memory_space<vmem>> -> memref<128x128xf32, #tpu.memory_space<vmem>>
        tpu.wait_dma2 semaphore(%arg15 : memref<!tpu.dma_semaphore, #tpu.memory_space<semaphore_mem>>) src(%dma_wait3A_421 : memref<128x128xf32, #tpu.memory_space<vmem>>) dst(%dma_wait3A_418 : memref<128x128xf32, #tpu.memory_space<hbm>>)
      } else {
      }
      %add3A_180 = arith.constant 32 : i32
      %add3A_181 = arith.addi %add3A_180, %scan3A_139 : i32
      %dma_start3A_182 = arith.constant 0 : i32
      %dma_start3A_183 = arith.constant 256 : i32
      %dma_start3A_184 = arith.constant 0 : i32
      %dma_start3A_185 = tpu.memref_slice %arg7[%dma_start3A_183, %dma_start3A_184] : memref<640x128xf32, #tpu.memory_space<vmem>> -> memref<128x128xf32, #tpu.memory_space<vmem>>
      %dma_start3A_186 = arith.constant 0 : i32
      %dma_start3A_187 = tpu.memref_slice %arg5[%add3A_181, %dma_start3A_182, %dma_start3A_186] : memref<80x1x128xi32, #tpu.memory_space<vmem>> -> memref<1x1x128xi32, #tpu.memory_space<vmem>>
      %dma_start3A_188 = tpu.memref_squeeze %dma_start3A_187 : memref<1x1x128xi32, #tpu.memory_space<vmem>> -> memref<128xi32, #tpu.memory_space<vmem>>
      %dma_start3A_189 = arith.constant 0 : i32
      %dma_start3A_190 = arith.constant 0 : i32
      %dma_start3A_191 = tpu.memref_slice %arg2[%dma_start3A_189, %dma_start3A_190] : memref<16384x128xf32, #tpu.memory_space<hbm>> -> memref<16384x128xf32, #tpu.memory_space<hbm>>
      tpu.enqueue_indirect_dma source(%dma_start3A_191 : memref<16384x128xf32, #tpu.memory_space<hbm>>) target(%dma_start3A_185 : memref<128x128xf32, #tpu.memory_space<vmem>>) offsets(%dma_start3A_188 : memref<128xi32, #tpu.memory_space<vmem>>) semaphore(%arg10 : memref<!tpu.dma_semaphore, #tpu.memory_space<semaphore_mem>>)
      %gt3A_192 = arith.constant 0 : i32
      %gt3A_193 = arith.cmpi sgt, %scan3A_139, %gt3A_192 : i32
      %convert_element_type3A_194 = arith.extui %gt3A_193 : i1 to i32
      %cond3A_195 = arith.constant 0 : i32
      %cond3A_196 = arith.cmpi ne, %convert_element_type3A_194, %cond3A_195 : i32
      scf.if %cond3A_196 {
        %sub3A_401 = arith.constant 1 : i32
        %sub3A_402 = arith.subi %scan3A_139, %sub3A_401 : i32
        %mul3A_403 = arith.constant 5 : i32
        %mul3A_404 = arith.muli %add3A, %mul3A_403 : i32
        %add3A_405 = arith.constant 3 : i32
        %add3A_406 = arith.addi %mul3A_404, %add3A_405 : i32
        %mul3A_407 = arith.constant 2048 : i32
        %mul3A_408 = arith.muli %add3A_406, %mul3A_407 : i32
        %mul3A_409 = arith.constant 128 : i32
        %mul3A_410 = arith.muli %sub3A_402, %mul3A_409 : i32
        %add3A_411 = arith.addi %mul3A_408, %mul3A_410 : i32
        %dma_wait3A_412 = arith.constant 384 : i32
        %dma_wait3A_413 = arith.constant 0 : i32
        %dma_wait3A_414 = tpu.memref_slice %arg7[%dma_wait3A_412, %dma_wait3A_413] : memref<640x128xf32, #tpu.memory_space<vmem>> -> memref<128x128xf32, #tpu.memory_space<vmem>>
        %dma_wait3A_415 = arith.constant 0 : i32
        %dma_wait3A_416 = tpu.memref_slice %arg4[%add3A_411, %dma_wait3A_415] : memref<327680x128xf32, #tpu.memory_space<hbm>> -> memref<128x128xf32, #tpu.memory_space<hbm>>
        %dma_wait3A_417 = arith.constant 0 : i32
        %dma_wait3A_418 = tpu.memref_slice %arg4[%add3A_411, %dma_wait3A_417] : memref<327680x128xf32, #tpu.memory_space<hbm>> -> memref<128x128xf32, #tpu.memory_space<hbm>>
        %dma_wait3A_419 = arith.constant 384 : i32
        %dma_wait3A_420 = arith.constant 0 : i32
        %dma_wait3A_421 = tpu.memref_slice %arg7[%dma_wait3A_419, %dma_wait3A_420] : memref<640x128xf32, #tpu.memory_space<vmem>> -> memref<128x128xf32, #tpu.memory_space<vmem>>
        tpu.wait_dma2 semaphore(%arg16 : memref<!tpu.dma_semaphore, #tpu.memory_space<semaphore_mem>>) src(%dma_wait3A_421 : memref<128x128xf32, #tpu.memory_space<vmem>>) dst(%dma_wait3A_418 : memref<128x128xf32, #tpu.memory_space<hbm>>)
      } else {
      }
      %add3A_197 = arith.constant 48 : i32
      %add3A_198 = arith.addi %add3A_197, %scan3A_139 : i32
      %dma_start3A_199 = arith.constant 0 : i32
      %dma_start3A_200 = arith.constant 384 : i32
      %dma_start3A_201 = arith.constant 0 : i32
      %dma_start3A_202 = tpu.memref_slice %arg7[%dma_start3A_200, %dma_start3A_201] : memref<640x128xf32, #tpu.memory_space<vmem>> -> memref<128x128xf32, #tpu.memory_space<vmem>>
      %dma_start3A_203 = arith.constant 0 : i32
      %dma_start3A_204 = tpu.memref_slice %arg5[%add3A_198, %dma_start3A_199, %dma_start3A_203] : memref<80x1x128xi32, #tpu.memory_space<vmem>> -> memref<1x1x128xi32, #tpu.memory_space<vmem>>
      %dma_start3A_205 = tpu.memref_squeeze %dma_start3A_204 : memref<1x1x128xi32, #tpu.memory_space<vmem>> -> memref<128xi32, #tpu.memory_space<vmem>>
      %dma_start3A_206 = arith.constant 0 : i32
      %dma_start3A_207 = arith.constant 0 : i32
      %dma_start3A_208 = tpu.memref_slice %arg2[%dma_start3A_206, %dma_start3A_207] : memref<16384x128xf32, #tpu.memory_space<hbm>> -> memref<16384x128xf32, #tpu.memory_space<hbm>>
      tpu.enqueue_indirect_dma source(%dma_start3A_208 : memref<16384x128xf32, #tpu.memory_space<hbm>>) target(%dma_start3A_202 : memref<128x128xf32, #tpu.memory_space<vmem>>) offsets(%dma_start3A_205 : memref<128xi32, #tpu.memory_space<vmem>>) semaphore(%arg11 : memref<!tpu.dma_semaphore, #tpu.memory_space<semaphore_mem>>)
      %gt3A_209 = arith.constant 0 : i32
      %gt3A_210 = arith.cmpi sgt, %scan3A_139, %gt3A_209 : i32
      %convert_element_type3A_211 = arith.extui %gt3A_210 : i1 to i32
      %cond3A_212 = arith.constant 0 : i32
      %cond3A_213 = arith.cmpi ne, %convert_element_type3A_211, %cond3A_212 : i32
      scf.if %cond3A_213 {
        %sub3A_401 = arith.constant 1 : i32
        %sub3A_402 = arith.subi %scan3A_139, %sub3A_401 : i32
        %mul3A_403 = arith.constant 5 : i32
        %mul3A_404 = arith.muli %add3A, %mul3A_403 : i32
        %add3A_405 = arith.constant 4 : i32
        %add3A_406 = arith.addi %mul3A_404, %add3A_405 : i32
        %mul3A_407 = arith.constant 2048 : i32
        %mul3A_408 = arith.muli %add3A_406, %mul3A_407 : i32
        %mul3A_409 = arith.constant 128 : i32
        %mul3A_410 = arith.muli %sub3A_402, %mul3A_409 : i32
        %add3A_411 = arith.addi %mul3A_408, %mul3A_410 : i32
        %dma_wait3A_412 = arith.constant 512 : i32
        %dma_wait3A_413 = arith.constant 0 : i32
        %dma_wait3A_414 = tpu.memref_slice %arg7[%dma_wait3A_412, %dma_wait3A_413] : memref<640x128xf32, #tpu.memory_space<vmem>> -> memref<128x128xf32, #tpu.memory_space<vmem>>
        %dma_wait3A_415 = arith.constant 0 : i32
        %dma_wait3A_416 = tpu.memref_slice %arg4[%add3A_411, %dma_wait3A_415] : memref<327680x128xf32, #tpu.memory_space<hbm>> -> memref<128x128xf32, #tpu.memory_space<hbm>>
        %dma_wait3A_417 = arith.constant 0 : i32
        %dma_wait3A_418 = tpu.memref_slice %arg4[%add3A_411, %dma_wait3A_417] : memref<327680x128xf32, #tpu.memory_space<hbm>> -> memref<128x128xf32, #tpu.memory_space<hbm>>
        %dma_wait3A_419 = arith.constant 512 : i32
        %dma_wait3A_420 = arith.constant 0 : i32
        %dma_wait3A_421 = tpu.memref_slice %arg7[%dma_wait3A_419, %dma_wait3A_420] : memref<640x128xf32, #tpu.memory_space<vmem>> -> memref<128x128xf32, #tpu.memory_space<vmem>>
        tpu.wait_dma2 semaphore(%arg17 : memref<!tpu.dma_semaphore, #tpu.memory_space<semaphore_mem>>) src(%dma_wait3A_421 : memref<128x128xf32, #tpu.memory_space<vmem>>) dst(%dma_wait3A_418 : memref<128x128xf32, #tpu.memory_space<hbm>>)
      } else {
      }
      %add3A_214 = arith.constant 64 : i32
      %add3A_215 = arith.addi %add3A_214, %scan3A_139 : i32
      %dma_start3A_216 = arith.constant 0 : i32
      %dma_start3A_217 = arith.constant 512 : i32
      %dma_start3A_218 = arith.constant 0 : i32
      %dma_start3A_219 = tpu.memref_slice %arg7[%dma_start3A_217, %dma_start3A_218] : memref<640x128xf32, #tpu.memory_space<vmem>> -> memref<128x128xf32, #tpu.memory_space<vmem>>
      %dma_start3A_220 = arith.constant 0 : i32
      %dma_start3A_221 = tpu.memref_slice %arg5[%add3A_215, %dma_start3A_216, %dma_start3A_220] : memref<80x1x128xi32, #tpu.memory_space<vmem>> -> memref<1x1x128xi32, #tpu.memory_space<vmem>>
      %dma_start3A_222 = tpu.memref_squeeze %dma_start3A_221 : memref<1x1x128xi32, #tpu.memory_space<vmem>> -> memref<128xi32, #tpu.memory_space<vmem>>
      %dma_start3A_223 = arith.constant 0 : i32
      %dma_start3A_224 = arith.constant 0 : i32
      %dma_start3A_225 = tpu.memref_slice %arg2[%dma_start3A_223, %dma_start3A_224] : memref<16384x128xf32, #tpu.memory_space<hbm>> -> memref<16384x128xf32, #tpu.memory_space<hbm>>
      tpu.enqueue_indirect_dma source(%dma_start3A_225 : memref<16384x128xf32, #tpu.memory_space<hbm>>) target(%dma_start3A_219 : memref<128x128xf32, #tpu.memory_space<vmem>>) offsets(%dma_start3A_222 : memref<128xi32, #tpu.memory_space<vmem>>) semaphore(%arg12 : memref<!tpu.dma_semaphore, #tpu.memory_space<semaphore_mem>>)
      %dma_wait3A_226 = arith.constant 0 : i32
      %dma_wait3A_227 = arith.constant 0 : i32
      %dma_wait3A_228 = arith.constant 0 : i32
      %dma_wait3A_229 = tpu.memref_slice %arg7[%dma_wait3A_227, %dma_wait3A_228] : memref<640x128xf32, #tpu.memory_space<vmem>> -> memref<128x128xf32, #tpu.memory_space<vmem>>
      %dma_wait3A_230 = arith.constant 0 : i32
      %dma_wait3A_231 = tpu.memref_slice %arg5[%add3A_148, %dma_wait3A_226, %dma_wait3A_230] : memref<80x1x128xi32, #tpu.memory_space<vmem>> -> memref<1x1x128xi32, #tpu.memory_space<vmem>>
      %dma_wait3A_232 = tpu.memref_squeeze %dma_wait3A_231 : memref<1x1x128xi32, #tpu.memory_space<vmem>> -> memref<128xi32, #tpu.memory_space<vmem>>
      %dma_wait3A_233 = arith.constant 0 : i32
      %dma_wait3A_234 = arith.constant 0 : i32
      %dma_wait3A_235 = tpu.memref_slice %arg2[%dma_wait3A_233, %dma_wait3A_234] : memref<16384x128xf32, #tpu.memory_space<hbm>> -> memref<16384x128xf32, #tpu.memory_space<hbm>>
      tpu.wait_indirect_dma semaphore(%arg8 : memref<!tpu.dma_semaphore, #tpu.memory_space<semaphore_mem>>) src(%dma_wait3A_235 : memref<16384x128xf32, #tpu.memory_space<hbm>>) dst(%dma_wait3A_229 : memref<128x128xf32, #tpu.memory_space<vmem>>)
      %scan3A_236 = arith.constant 0 : i32
      %scan3A_237 = arith.constant 0 : i32
      %scan3A_238 = arith.constant 128 : i32
      %scan3A_239 = arith.addi %scan3A_237, %scan3A_238 : i32
      %scan3A_240 = arith.constant 1 : i32
      scf.for %scan3A_401 = %scan3A_237 to %scan3A_239 step %scan3A_240  : i32 {
        %get3A = arith.index_cast %scan3A_401 : i32 to index
        %get3A_402 = arith.constant 0 : index
        %get3A_403 = tpu.vector_load %arg6[%get3A, %get3A_402] {strides = array<i32>} : memref<128x128xf32, #tpu.memory_space<vmem>>, vector<1x16xf32>,
        %get3A_404 = vector.shape_cast %get3A_403 : vector<1x16xf32> to vector<16xf32>
        %add3A_405 = arith.constant 0 : i32
        %add3A_406 = arith.addi %add3A_405, %scan3A_401 : i32
        %swap3A = arith.index_cast %add3A_406 : i32 to index
        %swap3A_407 = arith.constant 64 : index
        %swap3A_408 = tpu.vector_load %arg7[%swap3A, %swap3A_407] {strides = array<i32>} : memref<640x128xf32, #tpu.memory_space<vmem>>, vector<1x16xf32>,
        %swap3A_409 = vector.shape_cast %swap3A_408 : vector<1x16xf32> to vector<16xf32>
        %swap3A_410 = vector.shape_cast %get3A_404 : vector<16xf32> to vector<1x16xf32>
        tpu.vector_store %arg7[%swap3A, %swap3A_407], %swap3A_410 {strides = array<i32>} : memref<640x128xf32, #tpu.memory_space<vmem>>, vector<1x16xf32>,
        %get3A_411 = arith.index_cast %scan3A_401 : i32 to index
        %get3A_412 = arith.constant 16 : index
        %get3A_413 = tpu.vector_load %arg6[%get3A_411, %get3A_412] {strides = array<i32>} : memref<128x128xf32, #tpu.memory_space<vmem>>, vector<1x16xf32>,
        %get3A_414 = vector.shape_cast %get3A_413 : vector<1x16xf32> to vector<16xf32>
        %add3A_415 = arith.constant 0 : i32
        %add3A_416 = arith.addi %add3A_415, %scan3A_401 : i32
        %swap3A_417 = arith.index_cast %add3A_416 : i32 to index
        %swap3A_418 = arith.constant 80 : index
        %swap3A_419 = tpu.vector_load %arg7[%swap3A_417, %swap3A_418] {strides = array<i32>} : memref<640x128xf32, #tpu.memory_space<vmem>>, vector<1x16xf32>,
        %swap3A_420 = vector.shape_cast %swap3A_419 : vector<1x16xf32> to vector<16xf32>
        %swap3A_421 = vector.shape_cast %get3A_414 : vector<16xf32> to vector<1x16xf32>
        tpu.vector_store %arg7[%swap3A_417, %swap3A_418], %swap3A_421 {strides = array<i32>} : memref<640x128xf32, #tpu.memory_space<vmem>>, vector<1x16xf32>,
        %get3A_422 = arith.index_cast %scan3A_401 : i32 to index
        %get3A_423 = arith.constant 32 : index
        %get3A_424 = tpu.vector_load %arg6[%get3A_422, %get3A_423] {strides = array<i32>} : memref<128x128xf32, #tpu.memory_space<vmem>>, vector<1x16xf32>,
        %get3A_425 = vector.shape_cast %get3A_424 : vector<1x16xf32> to vector<16xf32>
        %add3A_426 = arith.constant 0 : i32
        %add3A_427 = arith.addi %add3A_426, %scan3A_401 : i32
        %swap3A_428 = arith.index_cast %add3A_427 : i32 to index
        %swap3A_429 = arith.constant 96 : index
        %swap3A_430 = tpu.vector_load %arg7[%swap3A_428, %swap3A_429] {strides = array<i32>} : memref<640x128xf32, #tpu.memory_space<vmem>>, vector<1x16xf32>,
        %swap3A_431 = vector.shape_cast %swap3A_430 : vector<1x16xf32> to vector<16xf32>
        %swap3A_432 = vector.shape_cast %get3A_425 : vector<16xf32> to vector<1x16xf32>
        tpu.vector_store %arg7[%swap3A_428, %swap3A_429], %swap3A_432 {strides = array<i32>} : memref<640x128xf32, #tpu.memory_space<vmem>>, vector<1x16xf32>,
        %get3A_433 = arith.index_cast %scan3A_401 : i32 to index
        %get3A_434 = arith.constant 48 : index
        %get3A_435 = tpu.vector_load %arg6[%get3A_433, %get3A_434] {strides = array<i32>} : memref<128x128xf32, #tpu.memory_space<vmem>>, vector<1x16xf32>,
        %get3A_436 = vector.shape_cast %get3A_435 : vector<1x16xf32> to vector<16xf32>
        %add3A_437 = arith.constant 0 : i32
        %add3A_438 = arith.addi %add3A_437, %scan3A_401 : i32
        %swap3A_439 = arith.index_cast %add3A_438 : i32 to index
        %swap3A_440 = arith.constant 112 : index
        %swap3A_441 = tpu.vector_load %arg7[%swap3A_439, %swap3A_440] {strides = array<i32>} : memref<640x128xf32, #tpu.memory_space<vmem>>, vector<1x16xf32>,
        %swap3A_442 = vector.shape_cast %swap3A_441 : vector<1x16xf32> to vector<16xf32>
        %swap3A_443 = vector.shape_cast %get3A_436 : vector<16xf32> to vector<1x16xf32>
        tpu.vector_store %arg7[%swap3A_439, %swap3A_440], %swap3A_443 {strides = array<i32>} : memref<640x128xf32, #tpu.memory_space<vmem>>, vector<1x16xf32>,
      }
      %scan3A_241 = arith.constant 128 : i32
      %mul3A_242 = arith.constant 5 : i32
      %mul3A_243 = arith.muli %add3A, %mul3A_242 : i32
      %add3A_244 = arith.constant 0 : i32
      %add3A_245 = arith.addi %mul3A_243, %add3A_244 : i32
      %mul3A_246 = arith.constant 2048 : i32
      %mul3A_247 = arith.muli %add3A_245, %mul3A_246 : i32
      %mul3A_248 = arith.constant 128 : i32
      %mul3A_249 = arith.muli %scan3A_139, %mul3A_248 : i32
      %add3A_250 = arith.addi %mul3A_247, %mul3A_249 : i32
      %dma_start3A_251 = arith.constant 0 : i32
      %dma_start3A_252 = arith.constant 0 : i32
      %dma_start3A_253 = tpu.memref_slice %arg7[%dma_start3A_251, %dma_start3A_252] : memref<640x128xf32, #tpu.memory_space<vmem>> -> memref<128x128xf32, #tpu.memory_space<vmem>>
      %dma_start3A_254 = arith.constant 0 : i32
      %dma_start3A_255 = tpu.memref_slice %arg4[%add3A_250, %dma_start3A_254] : memref<327680x128xf32, #tpu.memory_space<hbm>> -> memref<128x128xf32, #tpu.memory_space<hbm>>
      %dma_start3A_256 = arith.constant 0 : i32
      %dma_start3A_257 = tpu.memref_slice %arg4[%add3A_250, %dma_start3A_256] : memref<327680x128xf32, #tpu.memory_space<hbm>> -> memref<128x128xf32, #tpu.memory_space<hbm>>
      %dma_start3A_258 = arith.constant 0 : i32
      %dma_start3A_259 = arith.constant 0 : i32
      %dma_start3A_260 = tpu.memref_slice %arg7[%dma_start3A_258, %dma_start3A_259] : memref<640x128xf32, #tpu.memory_space<vmem>> -> memref<128x128xf32, #tpu.memory_space<vmem>>
      tpu.enqueue_dma source(%dma_start3A_260 : memref<128x128xf32, #tpu.memory_space<vmem>>) target(%dma_start3A_257 : memref<128x128xf32, #tpu.memory_space<hbm>>) target_semaphore(%arg13 : memref<!tpu.dma_semaphore, #tpu.memory_space<semaphore_mem>>)
      %dma_wait3A_261 = arith.constant 0 : i32
      %dma_wait3A_262 = arith.constant 128 : i32
      %dma_wait3A_263 = arith.constant 0 : i32
      %dma_wait3A_264 = tpu.memref_slice %arg7[%dma_wait3A_262, %dma_wait3A_263] : memref<640x128xf32, #tpu.memory_space<vmem>> -> memref<128x128xf32, #tpu.memory_space<vmem>>
      %dma_wait3A_265 = arith.constant 0 : i32
      %dma_wait3A_266 = tpu.memref_slice %arg5[%add3A_164, %dma_wait3A_261, %dma_wait3A_265] : memref<80x1x128xi32, #tpu.memory_space<vmem>> -> memref<1x1x128xi32, #tpu.memory_space<vmem>>
      %dma_wait3A_267 = tpu.memref_squeeze %dma_wait3A_266 : memref<1x1x128xi32, #tpu.memory_space<vmem>> -> memref<128xi32, #tpu.memory_space<vmem>>
      %dma_wait3A_268 = arith.constant 0 : i32
      %dma_wait3A_269 = arith.constant 0 : i32
      %dma_wait3A_270 = tpu.memref_slice %arg2[%dma_wait3A_268, %dma_wait3A_269] : memref<16384x128xf32, #tpu.memory_space<hbm>> -> memref<16384x128xf32, #tpu.memory_space<hbm>>
      tpu.wait_indirect_dma semaphore(%arg9 : memref<!tpu.dma_semaphore, #tpu.memory_space<semaphore_mem>>) src(%dma_wait3A_270 : memref<16384x128xf32, #tpu.memory_space<hbm>>) dst(%dma_wait3A_264 : memref<128x128xf32, #tpu.memory_space<vmem>>)
      %scan3A_271 = arith.constant 0 : i32
      %scan3A_272 = arith.constant 0 : i32
      %scan3A_273 = arith.constant 128 : i32
      %scan3A_274 = arith.addi %scan3A_272, %scan3A_273 : i32
      %scan3A_275 = arith.constant 1 : i32
      scf.for %scan3A_401 = %scan3A_272 to %scan3A_274 step %scan3A_275  : i32 {
        %get3A = arith.index_cast %scan3A_401 : i32 to index
        %get3A_402 = arith.constant 0 : index
        %get3A_403 = tpu.vector_load %arg6[%get3A, %get3A_402] {strides = array<i32>} : memref<128x128xf32, #tpu.memory_space<vmem>>, vector<1x16xf32>,
        %get3A_404 = vector.shape_cast %get3A_403 : vector<1x16xf32> to vector<16xf32>
        %add3A_405 = arith.constant 128 : i32
        %add3A_406 = arith.addi %add3A_405, %scan3A_401 : i32
        %swap3A = arith.index_cast %add3A_406 : i32 to index
        %swap3A_407 = arith.constant 64 : index
        %swap3A_408 = tpu.vector_load %arg7[%swap3A, %swap3A_407] {strides = array<i32>} : memref<640x128xf32, #tpu.memory_space<vmem>>, vector<1x16xf32>,
        %swap3A_409 = vector.shape_cast %swap3A_408 : vector<1x16xf32> to vector<16xf32>
        %swap3A_410 = vector.shape_cast %get3A_404 : vector<16xf32> to vector<1x16xf32>
        tpu.vector_store %arg7[%swap3A, %swap3A_407], %swap3A_410 {strides = array<i32>} : memref<640x128xf32, #tpu.memory_space<vmem>>, vector<1x16xf32>,
        %get3A_411 = arith.index_cast %scan3A_401 : i32 to index
        %get3A_412 = arith.constant 16 : index
        %get3A_413 = tpu.vector_load %arg6[%get3A_411, %get3A_412] {strides = array<i32>} : memref<128x128xf32, #tpu.memory_space<vmem>>, vector<1x16xf32>,
        %get3A_414 = vector.shape_cast %get3A_413 : vector<1x16xf32> to vector<16xf32>
        %add3A_415 = arith.constant 128 : i32
        %add3A_416 = arith.addi %add3A_415, %scan3A_401 : i32
        %swap3A_417 = arith.index_cast %add3A_416 : i32 to index
        %swap3A_418 = arith.constant 80 : index
        %swap3A_419 = tpu.vector_load %arg7[%swap3A_417, %swap3A_418] {strides = array<i32>} : memref<640x128xf32, #tpu.memory_space<vmem>>, vector<1x16xf32>,
        %swap3A_420 = vector.shape_cast %swap3A_419 : vector<1x16xf32> to vector<16xf32>
        %swap3A_421 = vector.shape_cast %get3A_414 : vector<16xf32> to vector<1x16xf32>
        tpu.vector_store %arg7[%swap3A_417, %swap3A_418], %swap3A_421 {strides = array<i32>} : memref<640x128xf32, #tpu.memory_space<vmem>>, vector<1x16xf32>,
        %get3A_422 = arith.index_cast %scan3A_401 : i32 to index
        %get3A_423 = arith.constant 32 : index
        %get3A_424 = tpu.vector_load %arg6[%get3A_422, %get3A_423] {strides = array<i32>} : memref<128x128xf32, #tpu.memory_space<vmem>>, vector<1x16xf32>,
        %get3A_425 = vector.shape_cast %get3A_424 : vector<1x16xf32> to vector<16xf32>
        %add3A_426 = arith.constant 128 : i32
        %add3A_427 = arith.addi %add3A_426, %scan3A_401 : i32
        %swap3A_428 = arith.index_cast %add3A_427 : i32 to index
        %swap3A_429 = arith.constant 96 : index
        %swap3A_430 = tpu.vector_load %arg7[%swap3A_428, %swap3A_429] {strides = array<i32>} : memref<640x128xf32, #tpu.memory_space<vmem>>, vector<1x16xf32>,
        %swap3A_431 = vector.shape_cast %swap3A_430 : vector<1x16xf32> to vector<16xf32>
        %swap3A_432 = vector.shape_cast %get3A_425 : vector<16xf32> to vector<1x16xf32>
        tpu.vector_store %arg7[%swap3A_428, %swap3A_429], %swap3A_432 {strides = array<i32>} : memref<640x128xf32, #tpu.memory_space<vmem>>, vector<1x16xf32>,
        %get3A_433 = arith.index_cast %scan3A_401 : i32 to index
        %get3A_434 = arith.constant 48 : index
        %get3A_435 = tpu.vector_load %arg6[%get3A_433, %get3A_434] {strides = array<i32>} : memref<128x128xf32, #tpu.memory_space<vmem>>, vector<1x16xf32>,
        %get3A_436 = vector.shape_cast %get3A_435 : vector<1x16xf32> to vector<16xf32>
        %add3A_437 = arith.constant 128 : i32
        %add3A_438 = arith.addi %add3A_437, %scan3A_401 : i32
        %swap3A_439 = arith.index_cast %add3A_438 : i32 to index
        %swap3A_440 = arith.constant 112 : index
        %swap3A_441 = tpu.vector_load %arg7[%swap3A_439, %swap3A_440] {strides = array<i32>} : memref<640x128xf32, #tpu.memory_space<vmem>>, vector<1x16xf32>,
        %swap3A_442 = vector.shape_cast %swap3A_441 : vector<1x16xf32> to vector<16xf32>
        %swap3A_443 = vector.shape_cast %get3A_436 : vector<16xf32> to vector<1x16xf32>
        tpu.vector_store %arg7[%swap3A_439, %swap3A_440], %swap3A_443 {strides = array<i32>} : memref<640x128xf32, #tpu.memory_space<vmem>>, vector<1x16xf32>,
      }
      %scan3A_276 = arith.constant 128 : i32
      %mul3A_277 = arith.constant 5 : i32
      %mul3A_278 = arith.muli %add3A, %mul3A_277 : i32
      %add3A_279 = arith.constant 1 : i32
      %add3A_280 = arith.addi %mul3A_278, %add3A_279 : i32
      %mul3A_281 = arith.constant 2048 : i32
      %mul3A_282 = arith.muli %add3A_280, %mul3A_281 : i32
      %mul3A_283 = arith.constant 128 : i32
      %mul3A_284 = arith.muli %scan3A_139, %mul3A_283 : i32
      %add3A_285 = arith.addi %mul3A_282, %mul3A_284 : i32
      %dma_start3A_286 = arith.constant 128 : i32
      %dma_start3A_287 = arith.constant 0 : i32
      %dma_start3A_288 = tpu.memref_slice %arg7[%dma_start3A_286, %dma_start3A_287] : memref<640x128xf32, #tpu.memory_space<vmem>> -> memref<128x128xf32, #tpu.memory_space<vmem>>
      %dma_start3A_289 = arith.constant 0 : i32
      %dma_start3A_290 = tpu.memref_slice %arg4[%add3A_285, %dma_start3A_289] : memref<327680x128xf32, #tpu.memory_space<hbm>> -> memref<128x128xf32, #tpu.memory_space<hbm>>
      %dma_start3A_291 = arith.constant 0 : i32
      %dma_start3A_292 = tpu.memref_slice %arg4[%add3A_285, %dma_start3A_291] : memref<327680x128xf32, #tpu.memory_space<hbm>> -> memref<128x128xf32, #tpu.memory_space<hbm>>
      %dma_start3A_293 = arith.constant 128 : i32
      %dma_start3A_294 = arith.constant 0 : i32
      %dma_start3A_295 = tpu.memref_slice %arg7[%dma_start3A_293, %dma_start3A_294] : memref<640x128xf32, #tpu.memory_space<vmem>> -> memref<128x128xf32, #tpu.memory_space<vmem>>
      tpu.enqueue_dma source(%dma_start3A_295 : memref<128x128xf32, #tpu.memory_space<vmem>>) target(%dma_start3A_292 : memref<128x128xf32, #tpu.memory_space<hbm>>) target_semaphore(%arg14 : memref<!tpu.dma_semaphore, #tpu.memory_space<semaphore_mem>>)
      %dma_wait3A_296 = arith.constant 0 : i32
      %dma_wait3A_297 = arith.constant 256 : i32
      %dma_wait3A_298 = arith.constant 0 : i32
      %dma_wait3A_299 = tpu.memref_slice %arg7[%dma_wait3A_297, %dma_wait3A_298] : memref<640x128xf32, #tpu.memory_space<vmem>> -> memref<128x128xf32, #tpu.memory_space<vmem>>
      %dma_wait3A_300 = arith.constant 0 : i32
      %dma_wait3A_301 = tpu.memref_slice %arg5[%add3A_181, %dma_wait3A_296, %dma_wait3A_300] : memref<80x1x128xi32, #tpu.memory_space<vmem>> -> memref<1x1x128xi32, #tpu.memory_space<vmem>>
      %dma_wait3A_302 = tpu.memref_squeeze %dma_wait3A_301 : memref<1x1x128xi32, #tpu.memory_space<vmem>> -> memref<128xi32, #tpu.memory_space<vmem>>
      %dma_wait3A_303 = arith.constant 0 : i32
      %dma_wait3A_304 = arith.constant 0 : i32
      %dma_wait3A_305 = tpu.memref_slice %arg2[%dma_wait3A_303, %dma_wait3A_304] : memref<16384x128xf32, #tpu.memory_space<hbm>> -> memref<16384x128xf32, #tpu.memory_space<hbm>>
      tpu.wait_indirect_dma semaphore(%arg10 : memref<!tpu.dma_semaphore, #tpu.memory_space<semaphore_mem>>) src(%dma_wait3A_305 : memref<16384x128xf32, #tpu.memory_space<hbm>>) dst(%dma_wait3A_299 : memref<128x128xf32, #tpu.memory_space<vmem>>)
      %scan3A_306 = arith.constant 0 : i32
      %scan3A_307 = arith.constant 0 : i32
      %scan3A_308 = arith.constant 128 : i32
      %scan3A_309 = arith.addi %scan3A_307, %scan3A_308 : i32
      %scan3A_310 = arith.constant 1 : i32
      scf.for %scan3A_401 = %scan3A_307 to %scan3A_309 step %scan3A_310  : i32 {
        %get3A = arith.index_cast %scan3A_401 : i32 to index
        %get3A_402 = arith.constant 0 : index
        %get3A_403 = tpu.vector_load %arg6[%get3A, %get3A_402] {strides = array<i32>} : memref<128x128xf32, #tpu.memory_space<vmem>>, vector<1x16xf32>,
        %get3A_404 = vector.shape_cast %get3A_403 : vector<1x16xf32> to vector<16xf32>
        %add3A_405 = arith.constant 256 : i32
        %add3A_406 = arith.addi %add3A_405, %scan3A_401 : i32
        %swap3A = arith.index_cast %add3A_406 : i32 to index
        %swap3A_407 = arith.constant 64 : index
        %swap3A_408 = tpu.vector_load %arg7[%swap3A, %swap3A_407] {strides = array<i32>} : memref<640x128xf32, #tpu.memory_space<vmem>>, vector<1x16xf32>,
        %swap3A_409 = vector.shape_cast %swap3A_408 : vector<1x16xf32> to vector<16xf32>
        %swap3A_410 = vector.shape_cast %get3A_404 : vector<16xf32> to vector<1x16xf32>
        tpu.vector_store %arg7[%swap3A, %swap3A_407], %swap3A_410 {strides = array<i32>} : memref<640x128xf32, #tpu.memory_space<vmem>>, vector<1x16xf32>,
        %get3A_411 = arith.index_cast %scan3A_401 : i32 to index
        %get3A_412 = arith.constant 16 : index
        %get3A_413 = tpu.vector_load %arg6[%get3A_411, %get3A_412] {strides = array<i32>} : memref<128x128xf32, #tpu.memory_space<vmem>>, vector<1x16xf32>,
        %get3A_414 = vector.shape_cast %get3A_413 : vector<1x16xf32> to vector<16xf32>
        %add3A_415 = arith.constant 256 : i32
        %add3A_416 = arith.addi %add3A_415, %scan3A_401 : i32
        %swap3A_417 = arith.index_cast %add3A_416 : i32 to index
        %swap3A_418 = arith.constant 80 : index
        %swap3A_419 = tpu.vector_load %arg7[%swap3A_417, %swap3A_418] {strides = array<i32>} : memref<640x128xf32, #tpu.memory_space<vmem>>, vector<1x16xf32>,
        %swap3A_420 = vector.shape_cast %swap3A_419 : vector<1x16xf32> to vector<16xf32>
        %swap3A_421 = vector.shape_cast %get3A_414 : vector<16xf32> to vector<1x16xf32>
        tpu.vector_store %arg7[%swap3A_417, %swap3A_418], %swap3A_421 {strides = array<i32>} : memref<640x128xf32, #tpu.memory_space<vmem>>, vector<1x16xf32>,
        %get3A_422 = arith.index_cast %scan3A_401 : i32 to index
        %get3A_423 = arith.constant 32 : index
        %get3A_424 = tpu.vector_load %arg6[%get3A_422, %get3A_423] {strides = array<i32>} : memref<128x128xf32, #tpu.memory_space<vmem>>, vector<1x16xf32>,
        %get3A_425 = vector.shape_cast %get3A_424 : vector<1x16xf32> to vector<16xf32>
        %add3A_426 = arith.constant 256 : i32
        %add3A_427 = arith.addi %add3A_426, %scan3A_401 : i32
        %swap3A_428 = arith.index_cast %add3A_427 : i32 to index
        %swap3A_429 = arith.constant 96 : index
        %swap3A_430 = tpu.vector_load %arg7[%swap3A_428, %swap3A_429] {strides = array<i32>} : memref<640x128xf32, #tpu.memory_space<vmem>>, vector<1x16xf32>,
        %swap3A_431 = vector.shape_cast %swap3A_430 : vector<1x16xf32> to vector<16xf32>
        %swap3A_432 = vector.shape_cast %get3A_425 : vector<16xf32> to vector<1x16xf32>
        tpu.vector_store %arg7[%swap3A_428, %swap3A_429], %swap3A_432 {strides = array<i32>} : memref<640x128xf32, #tpu.memory_space<vmem>>, vector<1x16xf32>,
        %get3A_433 = arith.index_cast %scan3A_401 : i32 to index
        %get3A_434 = arith.constant 48 : index
        %get3A_435 = tpu.vector_load %arg6[%get3A_433, %get3A_434] {strides = array<i32>} : memref<128x128xf32, #tpu.memory_space<vmem>>, vector<1x16xf32>,
        %get3A_436 = vector.shape_cast %get3A_435 : vector<1x16xf32> to vector<16xf32>
        %add3A_437 = arith.constant 256 : i32
        %add3A_438 = arith.addi %add3A_437, %scan3A_401 : i32
        %swap3A_439 = arith.index_cast %add3A_438 : i32 to index
        %swap3A_440 = arith.constant 112 : index
        %swap3A_441 = tpu.vector_load %arg7[%swap3A_439, %swap3A_440] {strides = array<i32>} : memref<640x128xf32, #tpu.memory_space<vmem>>, vector<1x16xf32>,
        %swap3A_442 = vector.shape_cast %swap3A_441 : vector<1x16xf32> to vector<16xf32>
        %swap3A_443 = vector.shape_cast %get3A_436 : vector<16xf32> to vector<1x16xf32>
        tpu.vector_store %arg7[%swap3A_439, %swap3A_440], %swap3A_443 {strides = array<i32>} : memref<640x128xf32, #tpu.memory_space<vmem>>, vector<1x16xf32>,
      }
      %scan3A_311 = arith.constant 128 : i32
      %mul3A_312 = arith.constant 5 : i32
      %mul3A_313 = arith.muli %add3A, %mul3A_312 : i32
      %add3A_314 = arith.constant 2 : i32
      %add3A_315 = arith.addi %mul3A_313, %add3A_314 : i32
      %mul3A_316 = arith.constant 2048 : i32
      %mul3A_317 = arith.muli %add3A_315, %mul3A_316 : i32
      %mul3A_318 = arith.constant 128 : i32
      %mul3A_319 = arith.muli %scan3A_139, %mul3A_318 : i32
      %add3A_320 = arith.addi %mul3A_317, %mul3A_319 : i32
      %dma_start3A_321 = arith.constant 256 : i32
      %dma_start3A_322 = arith.constant 0 : i32
      %dma_start3A_323 = tpu.memref_slice %arg7[%dma_start3A_321, %dma_start3A_322] : memref<640x128xf32, #tpu.memory_space<vmem>> -> memref<128x128xf32, #tpu.memory_space<vmem>>
      %dma_start3A_324 = arith.constant 0 : i32
      %dma_start3A_325 = tpu.memref_slice %arg4[%add3A_320, %dma_start3A_324] : memref<327680x128xf32, #tpu.memory_space<hbm>> -> memref<128x128xf32, #tpu.memory_space<hbm>>
      %dma_start3A_326 = arith.constant 0 : i32
      %dma_start3A_327 = tpu.memref_slice %arg4[%add3A_320, %dma_start3A_326] : memref<327680x128xf32, #tpu.memory_space<hbm>> -> memref<128x128xf32, #tpu.memory_space<hbm>>
      %dma_start3A_328 = arith.constant 256 : i32
      %dma_start3A_329 = arith.constant 0 : i32
      %dma_start3A_330 = tpu.memref_slice %arg7[%dma_start3A_328, %dma_start3A_329] : memref<640x128xf32, #tpu.memory_space<vmem>> -> memref<128x128xf32, #tpu.memory_space<vmem>>
      tpu.enqueue_dma source(%dma_start3A_330 : memref<128x128xf32, #tpu.memory_space<vmem>>) target(%dma_start3A_327 : memref<128x128xf32, #tpu.memory_space<hbm>>) target_semaphore(%arg15 : memref<!tpu.dma_semaphore, #tpu.memory_space<semaphore_mem>>)
      %dma_wait3A_331 = arith.constant 0 : i32
      %dma_wait3A_332 = arith.constant 384 : i32
      %dma_wait3A_333 = arith.constant 0 : i32
      %dma_wait3A_334 = tpu.memref_slice %arg7[%dma_wait3A_332, %dma_wait3A_333] : memref<640x128xf32, #tpu.memory_space<vmem>> -> memref<128x128xf32, #tpu.memory_space<vmem>>
      %dma_wait3A_335 = arith.constant 0 : i32
      %dma_wait3A_336 = tpu.memref_slice %arg5[%add3A_198, %dma_wait3A_331, %dma_wait3A_335] : memref<80x1x128xi32, #tpu.memory_space<vmem>> -> memref<1x1x128xi32, #tpu.memory_space<vmem>>
      %dma_wait3A_337 = tpu.memref_squeeze %dma_wait3A_336 : memref<1x1x128xi32, #tpu.memory_space<vmem>> -> memref<128xi32, #tpu.memory_space<vmem>>
      %dma_wait3A_338 = arith.constant 0 : i32
      %dma_wait3A_339 = arith.constant 0 : i32
      %dma_wait3A_340 = tpu.memref_slice %arg2[%dma_wait3A_338, %dma_wait3A_339] : memref<16384x128xf32, #tpu.memory_space<hbm>> -> memref<16384x128xf32, #tpu.memory_space<hbm>>
      tpu.wait_indirect_dma semaphore(%arg11 : memref<!tpu.dma_semaphore, #tpu.memory_space<semaphore_mem>>) src(%dma_wait3A_340 : memref<16384x128xf32, #tpu.memory_space<hbm>>) dst(%dma_wait3A_334 : memref<128x128xf32, #tpu.memory_space<vmem>>)
      %scan3A_341 = arith.constant 0 : i32
      %scan3A_342 = arith.constant 0 : i32
      %scan3A_343 = arith.constant 128 : i32
      %scan3A_344 = arith.addi %scan3A_342, %scan3A_343 : i32
      %scan3A_345 = arith.constant 1 : i32
      scf.for %scan3A_401 = %scan3A_342 to %scan3A_344 step %scan3A_345  : i32 {
        %get3A = arith.index_cast %scan3A_401 : i32 to index
        %get3A_402 = arith.constant 0 : index
        %get3A_403 = tpu.vector_load %arg6[%get3A, %get3A_402] {strides = array<i32>} : memref<128x128xf32, #tpu.memory_space<vmem>>, vector<1x16xf32>,
        %get3A_404 = vector.shape_cast %get3A_403 : vector<1x16xf32> to vector<16xf32>
        %add3A_405 = arith.constant 384 : i32
        %add3A_406 = arith.addi %add3A_405, %scan3A_401 : i32
        %swap3A = arith.index_cast %add3A_406 : i32 to index
        %swap3A_407 = arith.constant 64 : index
        %swap3A_408 = tpu.vector_load %arg7[%swap3A, %swap3A_407] {strides = array<i32>} : memref<640x128xf32, #tpu.memory_space<vmem>>, vector<1x16xf32>,
        %swap3A_409 = vector.shape_cast %swap3A_408 : vector<1x16xf32> to vector<16xf32>
        %swap3A_410 = vector.shape_cast %get3A_404 : vector<16xf32> to vector<1x16xf32>
        tpu.vector_store %arg7[%swap3A, %swap3A_407], %swap3A_410 {strides = array<i32>} : memref<640x128xf32, #tpu.memory_space<vmem>>, vector<1x16xf32>,
        %get3A_411 = arith.index_cast %scan3A_401 : i32 to index
        %get3A_412 = arith.constant 16 : index
        %get3A_413 = tpu.vector_load %arg6[%get3A_411, %get3A_412] {strides = array<i32>} : memref<128x128xf32, #tpu.memory_space<vmem>>, vector<1x16xf32>,
        %get3A_414 = vector.shape_cast %get3A_413 : vector<1x16xf32> to vector<16xf32>
        %add3A_415 = arith.constant 384 : i32
        %add3A_416 = arith.addi %add3A_415, %scan3A_401 : i32
        %swap3A_417 = arith.index_cast %add3A_416 : i32 to index
        %swap3A_418 = arith.constant 80 : index
        %swap3A_419 = tpu.vector_load %arg7[%swap3A_417, %swap3A_418] {strides = array<i32>} : memref<640x128xf32, #tpu.memory_space<vmem>>, vector<1x16xf32>,
        %swap3A_420 = vector.shape_cast %swap3A_419 : vector<1x16xf32> to vector<16xf32>
        %swap3A_421 = vector.shape_cast %get3A_414 : vector<16xf32> to vector<1x16xf32>
        tpu.vector_store %arg7[%swap3A_417, %swap3A_418], %swap3A_421 {strides = array<i32>} : memref<640x128xf32, #tpu.memory_space<vmem>>, vector<1x16xf32>,
        %get3A_422 = arith.index_cast %scan3A_401 : i32 to index
        %get3A_423 = arith.constant 32 : index
        %get3A_424 = tpu.vector_load %arg6[%get3A_422, %get3A_423] {strides = array<i32>} : memref<128x128xf32, #tpu.memory_space<vmem>>, vector<1x16xf32>,
        %get3A_425 = vector.shape_cast %get3A_424 : vector<1x16xf32> to vector<16xf32>
        %add3A_426 = arith.constant 384 : i32
        %add3A_427 = arith.addi %add3A_426, %scan3A_401 : i32
        %swap3A_428 = arith.index_cast %add3A_427 : i32 to index
        %swap3A_429 = arith.constant 96 : index
        %swap3A_430 = tpu.vector_load %arg7[%swap3A_428, %swap3A_429] {strides = array<i32>} : memref<640x128xf32, #tpu.memory_space<vmem>>, vector<1x16xf32>,
        %swap3A_431 = vector.shape_cast %swap3A_430 : vector<1x16xf32> to vector<16xf32>
        %swap3A_432 = vector.shape_cast %get3A_425 : vector<16xf32> to vector<1x16xf32>
        tpu.vector_store %arg7[%swap3A_428, %swap3A_429], %swap3A_432 {strides = array<i32>} : memref<640x128xf32, #tpu.memory_space<vmem>>, vector<1x16xf32>,
        %get3A_433 = arith.index_cast %scan3A_401 : i32 to index
        %get3A_434 = arith.constant 48 : index
        %get3A_435 = tpu.vector_load %arg6[%get3A_433, %get3A_434] {strides = array<i32>} : memref<128x128xf32, #tpu.memory_space<vmem>>, vector<1x16xf32>,
        %get3A_436 = vector.shape_cast %get3A_435 : vector<1x16xf32> to vector<16xf32>
        %add3A_437 = arith.constant 384 : i32
        %add3A_438 = arith.addi %add3A_437, %scan3A_401 : i32
        %swap3A_439 = arith.index_cast %add3A_438 : i32 to index
        %swap3A_440 = arith.constant 112 : index
        %swap3A_441 = tpu.vector_load %arg7[%swap3A_439, %swap3A_440] {strides = array<i32>} : memref<640x128xf32, #tpu.memory_space<vmem>>, vector<1x16xf32>,
        %swap3A_442 = vector.shape_cast %swap3A_441 : vector<1x16xf32> to vector<16xf32>
        %swap3A_443 = vector.shape_cast %get3A_436 : vector<16xf32> to vector<1x16xf32>
        tpu.vector_store %arg7[%swap3A_439, %swap3A_440], %swap3A_443 {strides = array<i32>} : memref<640x128xf32, #tpu.memory_space<vmem>>, vector<1x16xf32>,
      }
      %scan3A_346 = arith.constant 128 : i32
      %mul3A_347 = arith.constant 5 : i32
      %mul3A_348 = arith.muli %add3A, %mul3A_347 : i32
      %add3A_349 = arith.constant 3 : i32
      %add3A_350 = arith.addi %mul3A_348, %add3A_349 : i32
      %mul3A_351 = arith.constant 2048 : i32
      %mul3A_352 = arith.muli %add3A_350, %mul3A_351 : i32
      %mul3A_353 = arith.constant 128 : i32
      %mul3A_354 = arith.muli %scan3A_139, %mul3A_353 : i32
      %add3A_355 = arith.addi %mul3A_352, %mul3A_354 : i32
      %dma_start3A_356 = arith.constant 384 : i32
      %dma_start3A_357 = arith.constant 0 : i32
      %dma_start3A_358 = tpu.memref_slice %arg7[%dma_start3A_356, %dma_start3A_357] : memref<640x128xf32, #tpu.memory_space<vmem>> -> memref<128x128xf32, #tpu.memory_space<vmem>>
      %dma_start3A_359 = arith.constant 0 : i32
      %dma_start3A_360 = tpu.memref_slice %arg4[%add3A_355, %dma_start3A_359] : memref<327680x128xf32, #tpu.memory_space<hbm>> -> memref<128x128xf32, #tpu.memory_space<hbm>>
      %dma_start3A_361 = arith.constant 0 : i32
      %dma_start3A_362 = tpu.memref_slice %arg4[%add3A_355, %dma_start3A_361] : memref<327680x128xf32, #tpu.memory_space<hbm>> -> memref<128x128xf32, #tpu.memory_space<hbm>>
      %dma_start3A_363 = arith.constant 384 : i32
      %dma_start3A_364 = arith.constant 0 : i32
      %dma_start3A_365 = tpu.memref_slice %arg7[%dma_start3A_363, %dma_start3A_364] : memref<640x128xf32, #tpu.memory_space<vmem>> -> memref<128x128xf32, #tpu.memory_space<vmem>>
      tpu.enqueue_dma source(%dma_start3A_365 : memref<128x128xf32, #tpu.memory_space<vmem>>) target(%dma_start3A_362 : memref<128x128xf32, #tpu.memory_space<hbm>>) target_semaphore(%arg16 : memref<!tpu.dma_semaphore, #tpu.memory_space<semaphore_mem>>)
      %dma_wait3A_366 = arith.constant 0 : i32
      %dma_wait3A_367 = arith.constant 512 : i32
      %dma_wait3A_368 = arith.constant 0 : i32
      %dma_wait3A_369 = tpu.memref_slice %arg7[%dma_wait3A_367, %dma_wait3A_368] : memref<640x128xf32, #tpu.memory_space<vmem>> -> memref<128x128xf32, #tpu.memory_space<vmem>>
      %dma_wait3A_370 = arith.constant 0 : i32
      %dma_wait3A_371 = tpu.memref_slice %arg5[%add3A_215, %dma_wait3A_366, %dma_wait3A_370] : memref<80x1x128xi32, #tpu.memory_space<vmem>> -> memref<1x1x128xi32, #tpu.memory_space<vmem>>
      %dma_wait3A_372 = tpu.memref_squeeze %dma_wait3A_371 : memref<1x1x128xi32, #tpu.memory_space<vmem>> -> memref<128xi32, #tpu.memory_space<vmem>>
      %dma_wait3A_373 = arith.constant 0 : i32
      %dma_wait3A_374 = arith.constant 0 : i32
      %dma_wait3A_375 = tpu.memref_slice %arg2[%dma_wait3A_373, %dma_wait3A_374] : memref<16384x128xf32, #tpu.memory_space<hbm>> -> memref<16384x128xf32, #tpu.memory_space<hbm>>
      tpu.wait_indirect_dma semaphore(%arg12 : memref<!tpu.dma_semaphore, #tpu.memory_space<semaphore_mem>>) src(%dma_wait3A_375 : memref<16384x128xf32, #tpu.memory_space<hbm>>) dst(%dma_wait3A_369 : memref<128x128xf32, #tpu.memory_space<vmem>>)
      %scan3A_376 = arith.constant 0 : i32
      %scan3A_377 = arith.constant 0 : i32
      %scan3A_378 = arith.constant 128 : i32
      %scan3A_379 = arith.addi %scan3A_377, %scan3A_378 : i32
      %scan3A_380 = arith.constant 1 : i32
      scf.for %scan3A_401 = %scan3A_377 to %scan3A_379 step %scan3A_380  : i32 {
        %get3A = arith.index_cast %scan3A_401 : i32 to index
        %get3A_402 = arith.constant 0 : index
        %get3A_403 = tpu.vector_load %arg6[%get3A, %get3A_402] {strides = array<i32>} : memref<128x128xf32, #tpu.memory_space<vmem>>, vector<1x16xf32>,
        %get3A_404 = vector.shape_cast %get3A_403 : vector<1x16xf32> to vector<16xf32>
        %add3A_405 = arith.constant 512 : i32
        %add3A_406 = arith.addi %add3A_405, %scan3A_401 : i32
        %swap3A = arith.index_cast %add3A_406 : i32 to index
        %swap3A_407 = arith.constant 64 : index
        %swap3A_408 = tpu.vector_load %arg7[%swap3A, %swap3A_407] {strides = array<i32>} : memref<640x128xf32, #tpu.memory_space<vmem>>, vector<1x16xf32>,
        %swap3A_409 = vector.shape_cast %swap3A_408 : vector<1x16xf32> to vector<16xf32>
        %swap3A_410 = vector.shape_cast %get3A_404 : vector<16xf32> to vector<1x16xf32>
        tpu.vector_store %arg7[%swap3A, %swap3A_407], %swap3A_410 {strides = array<i32>} : memref<640x128xf32, #tpu.memory_space<vmem>>, vector<1x16xf32>,
        %get3A_411 = arith.index_cast %scan3A_401 : i32 to index
        %get3A_412 = arith.constant 16 : index
        %get3A_413 = tpu.vector_load %arg6[%get3A_411, %get3A_412] {strides = array<i32>} : memref<128x128xf32, #tpu.memory_space<vmem>>, vector<1x16xf32>,
        %get3A_414 = vector.shape_cast %get3A_413 : vector<1x16xf32> to vector<16xf32>
        %add3A_415 = arith.constant 512 : i32
        %add3A_416 = arith.addi %add3A_415, %scan3A_401 : i32
        %swap3A_417 = arith.index_cast %add3A_416 : i32 to index
        %swap3A_418 = arith.constant 80 : index
        %swap3A_419 = tpu.vector_load %arg7[%swap3A_417, %swap3A_418] {strides = array<i32>} : memref<640x128xf32, #tpu.memory_space<vmem>>, vector<1x16xf32>,
        %swap3A_420 = vector.shape_cast %swap3A_419 : vector<1x16xf32> to vector<16xf32>
        %swap3A_421 = vector.shape_cast %get3A_414 : vector<16xf32> to vector<1x16xf32>
        tpu.vector_store %arg7[%swap3A_417, %swap3A_418], %swap3A_421 {strides = array<i32>} : memref<640x128xf32, #tpu.memory_space<vmem>>, vector<1x16xf32>,
        %get3A_422 = arith.index_cast %scan3A_401 : i32 to index
        %get3A_423 = arith.constant 32 : index
        %get3A_424 = tpu.vector_load %arg6[%get3A_422, %get3A_423] {strides = array<i32>} : memref<128x128xf32, #tpu.memory_space<vmem>>, vector<1x16xf32>,
        %get3A_425 = vector.shape_cast %get3A_424 : vector<1x16xf32> to vector<16xf32>
        %add3A_426 = arith.constant 512 : i32
        %add3A_427 = arith.addi %add3A_426, %scan3A_401 : i32
        %swap3A_428 = arith.index_cast %add3A_427 : i32 to index
        %swap3A_429 = arith.constant 96 : index
        %swap3A_430 = tpu.vector_load %arg7[%swap3A_428, %swap3A_429] {strides = array<i32>} : memref<640x128xf32, #tpu.memory_space<vmem>>, vector<1x16xf32>,
        %swap3A_431 = vector.shape_cast %swap3A_430 : vector<1x16xf32> to vector<16xf32>
        %swap3A_432 = vector.shape_cast %get3A_425 : vector<16xf32> to vector<1x16xf32>
        tpu.vector_store %arg7[%swap3A_428, %swap3A_429], %swap3A_432 {strides = array<i32>} : memref<640x128xf32, #tpu.memory_space<vmem>>, vector<1x16xf32>,
        %get3A_433 = arith.index_cast %scan3A_401 : i32 to index
        %get3A_434 = arith.constant 48 : index
        %get3A_435 = tpu.vector_load %arg6[%get3A_433, %get3A_434] {strides = array<i32>} : memref<128x128xf32, #tpu.memory_space<vmem>>, vector<1x16xf32>,
        %get3A_436 = vector.shape_cast %get3A_435 : vector<1x16xf32> to vector<16xf32>
        %add3A_437 = arith.constant 512 : i32
        %add3A_438 = arith.addi %add3A_437, %scan3A_401 : i32
        %swap3A_439 = arith.index_cast %add3A_438 : i32 to index
        %swap3A_440 = arith.constant 112 : index
        %swap3A_441 = tpu.vector_load %arg7[%swap3A_439, %swap3A_440] {strides = array<i32>} : memref<640x128xf32, #tpu.memory_space<vmem>>, vector<1x16xf32>,
        %swap3A_442 = vector.shape_cast %swap3A_441 : vector<1x16xf32> to vector<16xf32>
        %swap3A_443 = vector.shape_cast %get3A_436 : vector<16xf32> to vector<1x16xf32>
        tpu.vector_store %arg7[%swap3A_439, %swap3A_440], %swap3A_443 {strides = array<i32>} : memref<640x128xf32, #tpu.memory_space<vmem>>, vector<1x16xf32>,
      }
      %scan3A_381 = arith.constant 128 : i32
      %mul3A_382 = arith.constant 5 : i32
      %mul3A_383 = arith.muli %add3A, %mul3A_382 : i32
      %add3A_384 = arith.constant 4 : i32
      %add3A_385 = arith.addi %mul3A_383, %add3A_384 : i32
      %mul3A_386 = arith.constant 2048 : i32
      %mul3A_387 = arith.muli %add3A_385, %mul3A_386 : i32
      %mul3A_388 = arith.constant 128 : i32
      %mul3A_389 = arith.muli %scan3A_139, %mul3A_388 : i32
      %add3A_390 = arith.addi %mul3A_387, %mul3A_389 : i32
      %dma_start3A_391 = arith.constant 512 : i32
      %dma_start3A_392 = arith.constant 0 : i32
      %dma_start3A_393 = tpu.memref_slice %arg7[%dma_start3A_391, %dma_start3A_392] : memref<640x128xf32, #tpu.memory_space<vmem>> -> memref<128x128xf32, #tpu.memory_space<vmem>>
      %dma_start3A_394 = arith.constant 0 : i32
      %dma_start3A_395 = tpu.memref_slice %arg4[%add3A_390, %dma_start3A_394] : memref<327680x128xf32, #tpu.memory_space<hbm>> -> memref<128x128xf32, #tpu.memory_space<hbm>>
      %dma_start3A_396 = arith.constant 0 : i32
      %dma_start3A_397 = tpu.memref_slice %arg4[%add3A_390, %dma_start3A_396] : memref<327680x128xf32, #tpu.memory_space<hbm>> -> memref<128x128xf32, #tpu.memory_space<hbm>>
      %dma_start3A_398 = arith.constant 512 : i32
      %dma_start3A_399 = arith.constant 0 : i32
      %dma_start3A_400 = tpu.memref_slice %arg7[%dma_start3A_398, %dma_start3A_399] : memref<640x128xf32, #tpu.memory_space<vmem>> -> memref<128x128xf32, #tpu.memory_space<vmem>>
      tpu.enqueue_dma source(%dma_start3A_400 : memref<128x128xf32, #tpu.memory_space<vmem>>) target(%dma_start3A_397 : memref<128x128xf32, #tpu.memory_space<hbm>>) target_semaphore(%arg17 : memref<!tpu.dma_semaphore, #tpu.memory_space<semaphore_mem>>)
    }
    %scan3A_49 = arith.constant 16 : i32
    %mul3A_50 = arith.constant 5 : i32
    %mul3A_51 = arith.muli %add3A, %mul3A_50 : i32
    %add3A_52 = arith.constant 0 : i32
    %add3A_53 = arith.addi %mul3A_51, %add3A_52 : i32
    %mul3A_54 = arith.constant 2048 : i32
    %mul3A_55 = arith.muli %add3A_53, %mul3A_54 : i32
    %add3A_56 = arith.constant 1920 : i32
    %add3A_57 = arith.addi %mul3A_55, %add3A_56 : i32
    %dma_wait3A = arith.constant 0 : i32
    %dma_wait3A_58 = arith.constant 0 : i32
    %dma_wait3A_59 = tpu.memref_slice %arg7[%dma_wait3A, %dma_wait3A_58] : memref<640x128xf32, #tpu.memory_space<vmem>> -> memref<128x128xf32, #tpu.memory_space<vmem>>
    %dma_wait3A_60 = arith.constant 0 : i32
    %dma_wait3A_61 = tpu.memref_slice %arg4[%add3A_57, %dma_wait3A_60] : memref<327680x128xf32, #tpu.memory_space<hbm>> -> memref<128x128xf32, #tpu.memory_space<hbm>>
    %dma_wait3A_62 = arith.constant 0 : i32
    %dma_wait3A_63 = tpu.memref_slice %arg4[%add3A_57, %dma_wait3A_62] : memref<327680x128xf32, #tpu.memory_space<hbm>> -> memref<128x128xf32, #tpu.memory_space<hbm>>
    %dma_wait3A_64 = arith.constant 0 : i32
    %dma_wait3A_65 = arith.constant 0 : i32
    %dma_wait3A_66 = tpu.memref_slice %arg7[%dma_wait3A_64, %dma_wait3A_65] : memref<640x128xf32, #tpu.memory_space<vmem>> -> memref<128x128xf32, #tpu.memory_space<vmem>>
    tpu.wait_dma2 semaphore(%arg13 : memref<!tpu.dma_semaphore, #tpu.memory_space<semaphore_mem>>) src(%dma_wait3A_66 : memref<128x128xf32, #tpu.memory_space<vmem>>) dst(%dma_wait3A_63 : memref<128x128xf32, #tpu.memory_space<hbm>>)
    %mul3A_67 = arith.constant 5 : i32
    %mul3A_68 = arith.muli %add3A, %mul3A_67 : i32
    %add3A_69 = arith.constant 1 : i32
    %add3A_70 = arith.addi %mul3A_68, %add3A_69 : i32
    %mul3A_71 = arith.constant 2048 : i32
    %mul3A_72 = arith.muli %add3A_70, %mul3A_71 : i32
    %add3A_73 = arith.constant 1920 : i32
    %add3A_74 = arith.addi %mul3A_72, %add3A_73 : i32
    %dma_wait3A_75 = arith.constant 128 : i32
    %dma_wait3A_76 = arith.constant 0 : i32
    %dma_wait3A_77 = tpu.memref_slice %arg7[%dma_wait3A_75, %dma_wait3A_76] : memref<640x128xf32, #tpu.memory_space<vmem>> -> memref<128x128xf32, #tpu.memory_space<vmem>>
    %dma_wait3A_78 = arith.constant 0 : i32
    %dma_wait3A_79 = tpu.memref_slice %arg4[%add3A_74, %dma_wait3A_78] : memref<327680x128xf32, #tpu.memory_space<hbm>> -> memref<128x128xf32, #tpu.memory_space<hbm>>
    %dma_wait3A_80 = arith.constant 0 : i32
    %dma_wait3A_81 = tpu.memref_slice %arg4[%add3A_74, %dma_wait3A_80] : memref<327680x128xf32, #tpu.memory_space<hbm>> -> memref<128x128xf32, #tpu.memory_space<hbm>>
    %dma_wait3A_82 = arith.constant 128 : i32
    %dma_wait3A_83 = arith.constant 0 : i32
    %dma_wait3A_84 = tpu.memref_slice %arg7[%dma_wait3A_82, %dma_wait3A_83] : memref<640x128xf32, #tpu.memory_space<vmem>> -> memref<128x128xf32, #tpu.memory_space<vmem>>
    tpu.wait_dma2 semaphore(%arg14 : memref<!tpu.dma_semaphore, #tpu.memory_space<semaphore_mem>>) src(%dma_wait3A_84 : memref<128x128xf32, #tpu.memory_space<vmem>>) dst(%dma_wait3A_81 : memref<128x128xf32, #tpu.memory_space<hbm>>)
    %mul3A_85 = arith.constant 5 : i32
    %mul3A_86 = arith.muli %add3A, %mul3A_85 : i32
    %add3A_87 = arith.constant 2 : i32
    %add3A_88 = arith.addi %mul3A_86, %add3A_87 : i32
    %mul3A_89 = arith.constant 2048 : i32
    %mul3A_90 = arith.muli %add3A_88, %mul3A_89 : i32
    %add3A_91 = arith.constant 1920 : i32
    %add3A_92 = arith.addi %mul3A_90, %add3A_91 : i32
    %dma_wait3A_93 = arith.constant 256 : i32
    %dma_wait3A_94 = arith.constant 0 : i32
    %dma_wait3A_95 = tpu.memref_slice %arg7[%dma_wait3A_93, %dma_wait3A_94] : memref<640x128xf32, #tpu.memory_space<vmem>> -> memref<128x128xf32, #tpu.memory_space<vmem>>
    %dma_wait3A_96 = arith.constant 0 : i32
    %dma_wait3A_97 = tpu.memref_slice %arg4[%add3A_92, %dma_wait3A_96] : memref<327680x128xf32, #tpu.memory_space<hbm>> -> memref<128x128xf32, #tpu.memory_space<hbm>>
    %dma_wait3A_98 = arith.constant 0 : i32
    %dma_wait3A_99 = tpu.memref_slice %arg4[%add3A_92, %dma_wait3A_98] : memref<327680x128xf32, #tpu.memory_space<hbm>> -> memref<128x128xf32, #tpu.memory_space<hbm>>
    %dma_wait3A_100 = arith.constant 256 : i32
    %dma_wait3A_101 = arith.constant 0 : i32
    %dma_wait3A_102 = tpu.memref_slice %arg7[%dma_wait3A_100, %dma_wait3A_101] : memref<640x128xf32, #tpu.memory_space<vmem>> -> memref<128x128xf32, #tpu.memory_space<vmem>>
    tpu.wait_dma2 semaphore(%arg15 : memref<!tpu.dma_semaphore, #tpu.memory_space<semaphore_mem>>) src(%dma_wait3A_102 : memref<128x128xf32, #tpu.memory_space<vmem>>) dst(%dma_wait3A_99 : memref<128x128xf32, #tpu.memory_space<hbm>>)
    %mul3A_103 = arith.constant 5 : i32
    %mul3A_104 = arith.muli %add3A, %mul3A_103 : i32
    %add3A_105 = arith.constant 3 : i32
    %add3A_106 = arith.addi %mul3A_104, %add3A_105 : i32
    %mul3A_107 = arith.constant 2048 : i32
    %mul3A_108 = arith.muli %add3A_106, %mul3A_107 : i32
    %add3A_109 = arith.constant 1920 : i32
    %add3A_110 = arith.addi %mul3A_108, %add3A_109 : i32
    %dma_wait3A_111 = arith.constant 384 : i32
    %dma_wait3A_112 = arith.constant 0 : i32
    %dma_wait3A_113 = tpu.memref_slice %arg7[%dma_wait3A_111, %dma_wait3A_112] : memref<640x128xf32, #tpu.memory_space<vmem>> -> memref<128x128xf32, #tpu.memory_space<vmem>>
    %dma_wait3A_114 = arith.constant 0 : i32
    %dma_wait3A_115 = tpu.memref_slice %arg4[%add3A_110, %dma_wait3A_114] : memref<327680x128xf32, #tpu.memory_space<hbm>> -> memref<128x128xf32, #tpu.memory_space<hbm>>
    %dma_wait3A_116 = arith.constant 0 : i32
    %dma_wait3A_117 = tpu.memref_slice %arg4[%add3A_110, %dma_wait3A_116] : memref<327680x128xf32, #tpu.memory_space<hbm>> -> memref<128x128xf32, #tpu.memory_space<hbm>>
    %dma_wait3A_118 = arith.constant 384 : i32
    %dma_wait3A_119 = arith.constant 0 : i32
    %dma_wait3A_120 = tpu.memref_slice %arg7[%dma_wait3A_118, %dma_wait3A_119] : memref<640x128xf32, #tpu.memory_space<vmem>> -> memref<128x128xf32, #tpu.memory_space<vmem>>
    tpu.wait_dma2 semaphore(%arg16 : memref<!tpu.dma_semaphore, #tpu.memory_space<semaphore_mem>>) src(%dma_wait3A_120 : memref<128x128xf32, #tpu.memory_space<vmem>>) dst(%dma_wait3A_117 : memref<128x128xf32, #tpu.memory_space<hbm>>)
    %mul3A_121 = arith.constant 5 : i32
    %mul3A_122 = arith.muli %add3A, %mul3A_121 : i32
    %add3A_123 = arith.constant 4 : i32
    %add3A_124 = arith.addi %mul3A_122, %add3A_123 : i32
    %mul3A_125 = arith.constant 2048 : i32
    %mul3A_126 = arith.muli %add3A_124, %mul3A_125 : i32
    %add3A_127 = arith.constant 1920 : i32
    %add3A_128 = arith.addi %mul3A_126, %add3A_127 : i32
    %dma_wait3A_129 = arith.constant 512 : i32
    %dma_wait3A_130 = arith.constant 0 : i32
    %dma_wait3A_131 = tpu.memref_slice %arg7[%dma_wait3A_129, %dma_wait3A_130] : memref<640x128xf32, #tpu.memory_space<vmem>> -> memref<128x128xf32, #tpu.memory_space<vmem>>
    %dma_wait3A_132 = arith.constant 0 : i32
    %dma_wait3A_133 = tpu.memref_slice %arg4[%add3A_128, %dma_wait3A_132] : memref<327680x128xf32, #tpu.memory_space<hbm>> -> memref<128x128xf32, #tpu.memory_space<hbm>>
    %dma_wait3A_134 = arith.constant 0 : i32
    %dma_wait3A_135 = tpu.memref_slice %arg4[%add3A_128, %dma_wait3A_134] : memref<327680x128xf32, #tpu.memory_space<hbm>> -> memref<128x128xf32, #tpu.memory_space<hbm>>
    %dma_wait3A_136 = arith.constant 512 : i32
    %dma_wait3A_137 = arith.constant 0 : i32
    %dma_wait3A_138 = tpu.memref_slice %arg7[%dma_wait3A_136, %dma_wait3A_137] : memref<640x128xf32, #tpu.memory_space<vmem>> -> memref<128x128xf32, #tpu.memory_space<vmem>>
    tpu.wait_dma2 semaphore(%arg17 : memref<!tpu.dma_semaphore, #tpu.memory_space<semaphore_mem>>) src(%dma_wait3A_138 : memref<128x128xf32, #tpu.memory_space<vmem>>) dst(%dma_wait3A_135 : memref<128x128xf32, #tpu.memory_space<hbm>>)
    return
  }
}

module attributes {stable_mosaic.version = 14 : i64} {
  func.func @_topk_body(%arg0: i32, %arg1: i32, %arg2: memref<1x256x64xf32, #tpu.memory_space<vmem>>, %arg3: memref<1x64x2048xf32, #tpu.memory_space<vmem>>, %arg4: memref<1x256x1xf32, #tpu.memory_space<vmem>>, %arg5: memref<1x1x2048xf32, #tpu.memory_space<vmem>>, %arg6: memref<1x256x20xi32, #tpu.memory_space<vmem>>) attributes {dimension_semantics = [#tpu.dimension_semantics<arbitrary>, #tpu.dimension_semantics<arbitrary>], iteration_bounds = array<i64: 8, 8>, scalar_prefetch = 0 : i64, scratch_operands = 0 : i64, tpu.core_type = #tpu.core_type<tc>, window_params = [{transform_indices = @transform_0, window_bounds = array<i64: 1, 256, 64>}, {transform_indices = @transform_1, window_bounds = array<i64: 1, 64, 2048>}, {transform_indices = @transform_2, window_bounds = array<i64: 1, 256, 1>}, {transform_indices = @transform_3, window_bounds = array<i64: 1, 1, 2048>}, {transform_indices = @transform_4, window_bounds = array<i64: 1, 256, 20>}]} {
    %get3A = arith.constant 0 : index
    %get3A_0 = arith.constant 0 : index
    %get3A_1 = arith.constant 0 : index
    %get3A_2 = vector.load %arg2[%get3A, %get3A_0, %get3A_1] : memref<1x256x64xf32, #tpu.memory_space<vmem>>, vector<1x256x64xf32>
    %get3A_3 = vector.shape_cast %get3A_2 : vector<1x256x64xf32> to vector<256x64xf32>
    %get3A_4 = arith.constant 0 : index
    %get3A_5 = arith.constant 0 : index
    %get3A_6 = arith.constant 0 : index
    %get3A_7 = vector.load %arg3[%get3A_4, %get3A_5, %get3A_6] : memref<1x64x2048xf32, #tpu.memory_space<vmem>>, vector<1x64x2048xf32>
    %get3A_8 = vector.shape_cast %get3A_7 : vector<1x64x2048xf32> to vector<64x2048xf32>
    %dot_general3A = arith.constant dense<0.000000e+00> : vector<256x2048xf32>
    %dot_general3A_9 = tpu.matmul %get3A_3, %get3A_8, %dot_general3A {dimension_numbers = #tpu.dot_dimension_numbers<[1], [0], [0], [1], [0, 0, 1, 1], [], []>, transpose_lhs_hint = false} : vector<256x64xf32>, vector<64x2048xf32>, vector<256x2048xf32> -> vector<256x2048xf32>
    %mul3A = arith.constant 2.000000e+00 : f32
    %mul3A_10 = vector.broadcast %mul3A : f32 to vector<256x2048xf32>
    %mul3A_11 = arith.mulf %mul3A_10, %dot_general3A_9 : vector<256x2048xf32>
    %get3A_12 = arith.constant 0 : index
    %get3A_13 = arith.constant 0 : index
    %get3A_14 = arith.constant 0 : index
    %get3A_15 = vector.load %arg4[%get3A_12, %get3A_13, %get3A_14] : memref<1x256x1xf32, #tpu.memory_space<vmem>>, vector<1x256x1xf32>
    %get3A_16 = vector.shape_cast %get3A_15 : vector<1x256x1xf32> to vector<256x1xf32>
    %sub3A = vector.broadcast %get3A_16 : vector<256x1xf32> to vector<256x2048xf32>
    %sub3A_17 = arith.subf %mul3A_11, %sub3A : vector<256x2048xf32>
    %get3A_18 = arith.constant 0 : index
    %get3A_19 = arith.constant 0 : index
    %get3A_20 = arith.constant 0 : index
    %get3A_21 = vector.load %arg5[%get3A_18, %get3A_19, %get3A_20] : memref<1x1x2048xf32, #tpu.memory_space<vmem>>, vector<1x1x2048xf32>
    %get3A_22 = vector.shape_cast %get3A_21 : vector<1x1x2048xf32> to vector<1x2048xf32>
    %sub3A_23 = vector.broadcast %get3A_22 : vector<1x2048xf32> to vector<256x2048xf32>
    %sub3A_24 = arith.subf %sub3A_17, %sub3A_23 : vector<256x2048xf32>
    %iota3A = tpu.iota {dimensions = array<i32: 1>} : vector<256x2048xi32>
    %mul3A_25 = arith.constant 2048 : i32
    %mul3A_26 = arith.muli %arg0, %mul3A_25 : i32
    %argmax3A = tpu.reduce_index %sub3A_24 {axis = 1 : i32, kind = #tpu.reduction_kind<arg_max>} : vector<256x2048xf32> -> vector<256xi32>
    %add3A = vector.broadcast %mul3A_26 : i32 to vector<256xi32>
    %add3A_27 = arith.addi %argmax3A, %add3A : vector<256xi32>
    %swap3A = arith.constant 0 : index
    %swap3A_28 = arith.constant 0 : index
    %swap3A_29 = arith.constant 0 : index
    %swap3A_30 = vector.load %arg6[%swap3A, %swap3A_28, %swap3A_29] : memref<1x256x20xi32, #tpu.memory_space<vmem>>, vector<1x256x1xi32>
    %swap3A_31 = vector.shape_cast %swap3A_30 : vector<1x256x1xi32> to vector<256xi32>
    %swap3A_32 = vector.shape_cast %add3A_27 : vector<256xi32> to vector<1x256x1xi32>
    tpu.vector_store %arg6[%swap3A, %swap3A_28, %swap3A_29], %swap3A_32 {strides = array<i32>} : memref<1x256x20xi32, #tpu.memory_space<vmem>>, vector<1x256x1xi32>,
    %broadcast_in_dim3A = vector.shape_cast %argmax3A : vector<256xi32> to vector<256x1xi32>
    %eq3A = vector.broadcast %broadcast_in_dim3A : vector<256x1xi32> to vector<256x2048xi32>
    %eq3A_33 = arith.cmpi eq, %iota3A, %eq3A : vector<256x2048xi32>
    %jit3A = arith.constant 0xFF800000 : f32
    %broadcast_in_dim3A_34 = vector.broadcast %jit3A : f32 to vector<256x2048xf32>
    %select_n3A = arith.select %eq3A_33, %broadcast_in_dim3A_34, %sub3A_24 : vector<256x2048xi1>, vector<256x2048xf32>
    %argmax3A_35 = tpu.reduce_index %select_n3A {axis = 1 : i32, kind = #tpu.reduction_kind<arg_max>} : vector<256x2048xf32> -> vector<256xi32>
    %add3A_36 = vector.broadcast %mul3A_26 : i32 to vector<256xi32>
    %add3A_37 = arith.addi %argmax3A_35, %add3A_36 : vector<256xi32>
    %swap3A_38 = arith.constant 0 : index
    %swap3A_39 = arith.constant 0 : index
    %swap3A_40 = arith.constant 1 : index
    %swap3A_41 = vector.load %arg6[%swap3A_38, %swap3A_39, %swap3A_40] : memref<1x256x20xi32, #tpu.memory_space<vmem>>, vector<1x256x1xi32>
    %swap3A_42 = vector.shape_cast %swap3A_41 : vector<1x256x1xi32> to vector<256xi32>
    %swap3A_43 = vector.shape_cast %add3A_37 : vector<256xi32> to vector<1x256x1xi32>
    tpu.vector_store %arg6[%swap3A_38, %swap3A_39, %swap3A_40], %swap3A_43 {strides = array<i32>} : memref<1x256x20xi32, #tpu.memory_space<vmem>>, vector<1x256x1xi32>,
    %broadcast_in_dim3A_44 = vector.shape_cast %argmax3A_35 : vector<256xi32> to vector<256x1xi32>
    %eq3A_45 = vector.broadcast %broadcast_in_dim3A_44 : vector<256x1xi32> to vector<256x2048xi32>
    %eq3A_46 = arith.cmpi eq, %iota3A, %eq3A_45 : vector<256x2048xi32>
    %jit3A_47 = arith.constant 0xFF800000 : f32
    %broadcast_in_dim3A_48 = vector.broadcast %jit3A_47 : f32 to vector<256x2048xf32>
    %select_n3A_49 = arith.select %eq3A_46, %broadcast_in_dim3A_48, %select_n3A : vector<256x2048xi1>, vector<256x2048xf32>
    %argmax3A_50 = tpu.reduce_index %select_n3A_49 {axis = 1 : i32, kind = #tpu.reduction_kind<arg_max>} : vector<256x2048xf32> -> vector<256xi32>
    %add3A_51 = vector.broadcast %mul3A_26 : i32 to vector<256xi32>
    %add3A_52 = arith.addi %argmax3A_50, %add3A_51 : vector<256xi32>
    %swap3A_53 = arith.constant 0 : index
    %swap3A_54 = arith.constant 0 : index
    %swap3A_55 = arith.constant 2 : index
    %swap3A_56 = vector.load %arg6[%swap3A_53, %swap3A_54, %swap3A_55] : memref<1x256x20xi32, #tpu.memory_space<vmem>>, vector<1x256x1xi32>
    %swap3A_57 = vector.shape_cast %swap3A_56 : vector<1x256x1xi32> to vector<256xi32>
    %swap3A_58 = vector.shape_cast %add3A_52 : vector<256xi32> to vector<1x256x1xi32>
    tpu.vector_store %arg6[%swap3A_53, %swap3A_54, %swap3A_55], %swap3A_58 {strides = array<i32>} : memref<1x256x20xi32, #tpu.memory_space<vmem>>, vector<1x256x1xi32>,
    %broadcast_in_dim3A_59 = vector.shape_cast %argmax3A_50 : vector<256xi32> to vector<256x1xi32>
    %eq3A_60 = vector.broadcast %broadcast_in_dim3A_59 : vector<256x1xi32> to vector<256x2048xi32>
    %eq3A_61 = arith.cmpi eq, %iota3A, %eq3A_60 : vector<256x2048xi32>
    %jit3A_62 = arith.constant 0xFF800000 : f32
    %broadcast_in_dim3A_63 = vector.broadcast %jit3A_62 : f32 to vector<256x2048xf32>
    %select_n3A_64 = arith.select %eq3A_61, %broadcast_in_dim3A_63, %select_n3A_49 : vector<256x2048xi1>, vector<256x2048xf32>
    %argmax3A_65 = tpu.reduce_index %select_n3A_64 {axis = 1 : i32, kind = #tpu.reduction_kind<arg_max>} : vector<256x2048xf32> -> vector<256xi32>
    %add3A_66 = vector.broadcast %mul3A_26 : i32 to vector<256xi32>
    %add3A_67 = arith.addi %argmax3A_65, %add3A_66 : vector<256xi32>
    %swap3A_68 = arith.constant 0 : index
    %swap3A_69 = arith.constant 0 : index
    %swap3A_70 = arith.constant 3 : index
    %swap3A_71 = vector.load %arg6[%swap3A_68, %swap3A_69, %swap3A_70] : memref<1x256x20xi32, #tpu.memory_space<vmem>>, vector<1x256x1xi32>
    %swap3A_72 = vector.shape_cast %swap3A_71 : vector<1x256x1xi32> to vector<256xi32>
    %swap3A_73 = vector.shape_cast %add3A_67 : vector<256xi32> to vector<1x256x1xi32>
    tpu.vector_store %arg6[%swap3A_68, %swap3A_69, %swap3A_70], %swap3A_73 {strides = array<i32>} : memref<1x256x20xi32, #tpu.memory_space<vmem>>, vector<1x256x1xi32>,
    %broadcast_in_dim3A_74 = vector.shape_cast %argmax3A_65 : vector<256xi32> to vector<256x1xi32>
    %eq3A_75 = vector.broadcast %broadcast_in_dim3A_74 : vector<256x1xi32> to vector<256x2048xi32>
    %eq3A_76 = arith.cmpi eq, %iota3A, %eq3A_75 : vector<256x2048xi32>
    %jit3A_77 = arith.constant 0xFF800000 : f32
    %broadcast_in_dim3A_78 = vector.broadcast %jit3A_77 : f32 to vector<256x2048xf32>
    %select_n3A_79 = arith.select %eq3A_76, %broadcast_in_dim3A_78, %select_n3A_64 : vector<256x2048xi1>, vector<256x2048xf32>
    %argmax3A_80 = tpu.reduce_index %select_n3A_79 {axis = 1 : i32, kind = #tpu.reduction_kind<arg_max>} : vector<256x2048xf32> -> vector<256xi32>
    %add3A_81 = vector.broadcast %mul3A_26 : i32 to vector<256xi32>
    %add3A_82 = arith.addi %argmax3A_80, %add3A_81 : vector<256xi32>
    %swap3A_83 = arith.constant 0 : index
    %swap3A_84 = arith.constant 0 : index
    %swap3A_85 = arith.constant 4 : index
    %swap3A_86 = vector.load %arg6[%swap3A_83, %swap3A_84, %swap3A_85] : memref<1x256x20xi32, #tpu.memory_space<vmem>>, vector<1x256x1xi32>
    %swap3A_87 = vector.shape_cast %swap3A_86 : vector<1x256x1xi32> to vector<256xi32>
    %swap3A_88 = vector.shape_cast %add3A_82 : vector<256xi32> to vector<1x256x1xi32>
    tpu.vector_store %arg6[%swap3A_83, %swap3A_84, %swap3A_85], %swap3A_88 {strides = array<i32>} : memref<1x256x20xi32, #tpu.memory_space<vmem>>, vector<1x256x1xi32>,
    %broadcast_in_dim3A_89 = vector.shape_cast %argmax3A_80 : vector<256xi32> to vector<256x1xi32>
    %eq3A_90 = vector.broadcast %broadcast_in_dim3A_89 : vector<256x1xi32> to vector<256x2048xi32>
    %eq3A_91 = arith.cmpi eq, %iota3A, %eq3A_90 : vector<256x2048xi32>
    %jit3A_92 = arith.constant 0xFF800000 : f32
    %broadcast_in_dim3A_93 = vector.broadcast %jit3A_92 : f32 to vector<256x2048xf32>
    %select_n3A_94 = arith.select %eq3A_91, %broadcast_in_dim3A_93, %select_n3A_79 : vector<256x2048xi1>, vector<256x2048xf32>
    %argmax3A_95 = tpu.reduce_index %select_n3A_94 {axis = 1 : i32, kind = #tpu.reduction_kind<arg_max>} : vector<256x2048xf32> -> vector<256xi32>
    %add3A_96 = vector.broadcast %mul3A_26 : i32 to vector<256xi32>
    %add3A_97 = arith.addi %argmax3A_95, %add3A_96 : vector<256xi32>
    %swap3A_98 = arith.constant 0 : index
    %swap3A_99 = arith.constant 0 : index
    %swap3A_100 = arith.constant 5 : index
    %swap3A_101 = vector.load %arg6[%swap3A_98, %swap3A_99, %swap3A_100] : memref<1x256x20xi32, #tpu.memory_space<vmem>>, vector<1x256x1xi32>
    %swap3A_102 = vector.shape_cast %swap3A_101 : vector<1x256x1xi32> to vector<256xi32>
    %swap3A_103 = vector.shape_cast %add3A_97 : vector<256xi32> to vector<1x256x1xi32>
    tpu.vector_store %arg6[%swap3A_98, %swap3A_99, %swap3A_100], %swap3A_103 {strides = array<i32>} : memref<1x256x20xi32, #tpu.memory_space<vmem>>, vector<1x256x1xi32>,
    %broadcast_in_dim3A_104 = vector.shape_cast %argmax3A_95 : vector<256xi32> to vector<256x1xi32>
    %eq3A_105 = vector.broadcast %broadcast_in_dim3A_104 : vector<256x1xi32> to vector<256x2048xi32>
    %eq3A_106 = arith.cmpi eq, %iota3A, %eq3A_105 : vector<256x2048xi32>
    %jit3A_107 = arith.constant 0xFF800000 : f32
    %broadcast_in_dim3A_108 = vector.broadcast %jit3A_107 : f32 to vector<256x2048xf32>
    %select_n3A_109 = arith.select %eq3A_106, %broadcast_in_dim3A_108, %select_n3A_94 : vector<256x2048xi1>, vector<256x2048xf32>
    %argmax3A_110 = tpu.reduce_index %select_n3A_109 {axis = 1 : i32, kind = #tpu.reduction_kind<arg_max>} : vector<256x2048xf32> -> vector<256xi32>
    %add3A_111 = vector.broadcast %mul3A_26 : i32 to vector<256xi32>
    %add3A_112 = arith.addi %argmax3A_110, %add3A_111 : vector<256xi32>
    %swap3A_113 = arith.constant 0 : index
    %swap3A_114 = arith.constant 0 : index
    %swap3A_115 = arith.constant 6 : index
    %swap3A_116 = vector.load %arg6[%swap3A_113, %swap3A_114, %swap3A_115] : memref<1x256x20xi32, #tpu.memory_space<vmem>>, vector<1x256x1xi32>
    %swap3A_117 = vector.shape_cast %swap3A_116 : vector<1x256x1xi32> to vector<256xi32>
    %swap3A_118 = vector.shape_cast %add3A_112 : vector<256xi32> to vector<1x256x1xi32>
    tpu.vector_store %arg6[%swap3A_113, %swap3A_114, %swap3A_115], %swap3A_118 {strides = array<i32>} : memref<1x256x20xi32, #tpu.memory_space<vmem>>, vector<1x256x1xi32>,
    %broadcast_in_dim3A_119 = vector.shape_cast %argmax3A_110 : vector<256xi32> to vector<256x1xi32>
    %eq3A_120 = vector.broadcast %broadcast_in_dim3A_119 : vector<256x1xi32> to vector<256x2048xi32>
    %eq3A_121 = arith.cmpi eq, %iota3A, %eq3A_120 : vector<256x2048xi32>
    %jit3A_122 = arith.constant 0xFF800000 : f32
    %broadcast_in_dim3A_123 = vector.broadcast %jit3A_122 : f32 to vector<256x2048xf32>
    %select_n3A_124 = arith.select %eq3A_121, %broadcast_in_dim3A_123, %select_n3A_109 : vector<256x2048xi1>, vector<256x2048xf32>
    %argmax3A_125 = tpu.reduce_index %select_n3A_124 {axis = 1 : i32, kind = #tpu.reduction_kind<arg_max>} : vector<256x2048xf32> -> vector<256xi32>
    %add3A_126 = vector.broadcast %mul3A_26 : i32 to vector<256xi32>
    %add3A_127 = arith.addi %argmax3A_125, %add3A_126 : vector<256xi32>
    %swap3A_128 = arith.constant 0 : index
    %swap3A_129 = arith.constant 0 : index
    %swap3A_130 = arith.constant 7 : index
    %swap3A_131 = vector.load %arg6[%swap3A_128, %swap3A_129, %swap3A_130] : memref<1x256x20xi32, #tpu.memory_space<vmem>>, vector<1x256x1xi32>
    %swap3A_132 = vector.shape_cast %swap3A_131 : vector<1x256x1xi32> to vector<256xi32>
    %swap3A_133 = vector.shape_cast %add3A_127 : vector<256xi32> to vector<1x256x1xi32>
    tpu.vector_store %arg6[%swap3A_128, %swap3A_129, %swap3A_130], %swap3A_133 {strides = array<i32>} : memref<1x256x20xi32, #tpu.memory_space<vmem>>, vector<1x256x1xi32>,
    %broadcast_in_dim3A_134 = vector.shape_cast %argmax3A_125 : vector<256xi32> to vector<256x1xi32>
    %eq3A_135 = vector.broadcast %broadcast_in_dim3A_134 : vector<256x1xi32> to vector<256x2048xi32>
    %eq3A_136 = arith.cmpi eq, %iota3A, %eq3A_135 : vector<256x2048xi32>
    %jit3A_137 = arith.constant 0xFF800000 : f32
    %broadcast_in_dim3A_138 = vector.broadcast %jit3A_137 : f32 to vector<256x2048xf32>
    %select_n3A_139 = arith.select %eq3A_136, %broadcast_in_dim3A_138, %select_n3A_124 : vector<256x2048xi1>, vector<256x2048xf32>
    %argmax3A_140 = tpu.reduce_index %select_n3A_139 {axis = 1 : i32, kind = #tpu.reduction_kind<arg_max>} : vector<256x2048xf32> -> vector<256xi32>
    %add3A_141 = vector.broadcast %mul3A_26 : i32 to vector<256xi32>
    %add3A_142 = arith.addi %argmax3A_140, %add3A_141 : vector<256xi32>
    %swap3A_143 = arith.constant 0 : index
    %swap3A_144 = arith.constant 0 : index
    %swap3A_145 = arith.constant 8 : index
    %swap3A_146 = vector.load %arg6[%swap3A_143, %swap3A_144, %swap3A_145] : memref<1x256x20xi32, #tpu.memory_space<vmem>>, vector<1x256x1xi32>
    %swap3A_147 = vector.shape_cast %swap3A_146 : vector<1x256x1xi32> to vector<256xi32>
    %swap3A_148 = vector.shape_cast %add3A_142 : vector<256xi32> to vector<1x256x1xi32>
    tpu.vector_store %arg6[%swap3A_143, %swap3A_144, %swap3A_145], %swap3A_148 {strides = array<i32>} : memref<1x256x20xi32, #tpu.memory_space<vmem>>, vector<1x256x1xi32>,
    %broadcast_in_dim3A_149 = vector.shape_cast %argmax3A_140 : vector<256xi32> to vector<256x1xi32>
    %eq3A_150 = vector.broadcast %broadcast_in_dim3A_149 : vector<256x1xi32> to vector<256x2048xi32>
    %eq3A_151 = arith.cmpi eq, %iota3A, %eq3A_150 : vector<256x2048xi32>
    %jit3A_152 = arith.constant 0xFF800000 : f32
    %broadcast_in_dim3A_153 = vector.broadcast %jit3A_152 : f32 to vector<256x2048xf32>
    %select_n3A_154 = arith.select %eq3A_151, %broadcast_in_dim3A_153, %select_n3A_139 : vector<256x2048xi1>, vector<256x2048xf32>
    %argmax3A_155 = tpu.reduce_index %select_n3A_154 {axis = 1 : i32, kind = #tpu.reduction_kind<arg_max>} : vector<256x2048xf32> -> vector<256xi32>
    %add3A_156 = vector.broadcast %mul3A_26 : i32 to vector<256xi32>
    %add3A_157 = arith.addi %argmax3A_155, %add3A_156 : vector<256xi32>
    %swap3A_158 = arith.constant 0 : index
    %swap3A_159 = arith.constant 0 : index
    %swap3A_160 = arith.constant 9 : index
    %swap3A_161 = vector.load %arg6[%swap3A_158, %swap3A_159, %swap3A_160] : memref<1x256x20xi32, #tpu.memory_space<vmem>>, vector<1x256x1xi32>
    %swap3A_162 = vector.shape_cast %swap3A_161 : vector<1x256x1xi32> to vector<256xi32>
    %swap3A_163 = vector.shape_cast %add3A_157 : vector<256xi32> to vector<1x256x1xi32>
    tpu.vector_store %arg6[%swap3A_158, %swap3A_159, %swap3A_160], %swap3A_163 {strides = array<i32>} : memref<1x256x20xi32, #tpu.memory_space<vmem>>, vector<1x256x1xi32>,
    %broadcast_in_dim3A_164 = vector.shape_cast %argmax3A_155 : vector<256xi32> to vector<256x1xi32>
    %eq3A_165 = vector.broadcast %broadcast_in_dim3A_164 : vector<256x1xi32> to vector<256x2048xi32>
    %eq3A_166 = arith.cmpi eq, %iota3A, %eq3A_165 : vector<256x2048xi32>
    %jit3A_167 = arith.constant 0xFF800000 : f32
    %broadcast_in_dim3A_168 = vector.broadcast %jit3A_167 : f32 to vector<256x2048xf32>
    %select_n3A_169 = arith.select %eq3A_166, %broadcast_in_dim3A_168, %select_n3A_154 : vector<256x2048xi1>, vector<256x2048xf32>
    %argmax3A_170 = tpu.reduce_index %select_n3A_169 {axis = 1 : i32, kind = #tpu.reduction_kind<arg_max>} : vector<256x2048xf32> -> vector<256xi32>
    %add3A_171 = vector.broadcast %mul3A_26 : i32 to vector<256xi32>
    %add3A_172 = arith.addi %argmax3A_170, %add3A_171 : vector<256xi32>
    %swap3A_173 = arith.constant 0 : index
    %swap3A_174 = arith.constant 0 : index
    %swap3A_175 = arith.constant 10 : index
    %swap3A_176 = vector.load %arg6[%swap3A_173, %swap3A_174, %swap3A_175] : memref<1x256x20xi32, #tpu.memory_space<vmem>>, vector<1x256x1xi32>
    %swap3A_177 = vector.shape_cast %swap3A_176 : vector<1x256x1xi32> to vector<256xi32>
    %swap3A_178 = vector.shape_cast %add3A_172 : vector<256xi32> to vector<1x256x1xi32>
    tpu.vector_store %arg6[%swap3A_173, %swap3A_174, %swap3A_175], %swap3A_178 {strides = array<i32>} : memref<1x256x20xi32, #tpu.memory_space<vmem>>, vector<1x256x1xi32>,
    %broadcast_in_dim3A_179 = vector.shape_cast %argmax3A_170 : vector<256xi32> to vector<256x1xi32>
    %eq3A_180 = vector.broadcast %broadcast_in_dim3A_179 : vector<256x1xi32> to vector<256x2048xi32>
    %eq3A_181 = arith.cmpi eq, %iota3A, %eq3A_180 : vector<256x2048xi32>
    %jit3A_182 = arith.constant 0xFF800000 : f32
    %broadcast_in_dim3A_183 = vector.broadcast %jit3A_182 : f32 to vector<256x2048xf32>
    %select_n3A_184 = arith.select %eq3A_181, %broadcast_in_dim3A_183, %select_n3A_169 : vector<256x2048xi1>, vector<256x2048xf32>
    %argmax3A_185 = tpu.reduce_index %select_n3A_184 {axis = 1 : i32, kind = #tpu.reduction_kind<arg_max>} : vector<256x2048xf32> -> vector<256xi32>
    %add3A_186 = vector.broadcast %mul3A_26 : i32 to vector<256xi32>
    %add3A_187 = arith.addi %argmax3A_185, %add3A_186 : vector<256xi32>
    %swap3A_188 = arith.constant 0 : index
    %swap3A_189 = arith.constant 0 : index
    %swap3A_190 = arith.constant 11 : index
    %swap3A_191 = vector.load %arg6[%swap3A_188, %swap3A_189, %swap3A_190] : memref<1x256x20xi32, #tpu.memory_space<vmem>>, vector<1x256x1xi32>
    %swap3A_192 = vector.shape_cast %swap3A_191 : vector<1x256x1xi32> to vector<256xi32>
    %swap3A_193 = vector.shape_cast %add3A_187 : vector<256xi32> to vector<1x256x1xi32>
    tpu.vector_store %arg6[%swap3A_188, %swap3A_189, %swap3A_190], %swap3A_193 {strides = array<i32>} : memref<1x256x20xi32, #tpu.memory_space<vmem>>, vector<1x256x1xi32>,
    %broadcast_in_dim3A_194 = vector.shape_cast %argmax3A_185 : vector<256xi32> to vector<256x1xi32>
    %eq3A_195 = vector.broadcast %broadcast_in_dim3A_194 : vector<256x1xi32> to vector<256x2048xi32>
    %eq3A_196 = arith.cmpi eq, %iota3A, %eq3A_195 : vector<256x2048xi32>
    %jit3A_197 = arith.constant 0xFF800000 : f32
    %broadcast_in_dim3A_198 = vector.broadcast %jit3A_197 : f32 to vector<256x2048xf32>
    %select_n3A_199 = arith.select %eq3A_196, %broadcast_in_dim3A_198, %select_n3A_184 : vector<256x2048xi1>, vector<256x2048xf32>
    %argmax3A_200 = tpu.reduce_index %select_n3A_199 {axis = 1 : i32, kind = #tpu.reduction_kind<arg_max>} : vector<256x2048xf32> -> vector<256xi32>
    %add3A_201 = vector.broadcast %mul3A_26 : i32 to vector<256xi32>
    %add3A_202 = arith.addi %argmax3A_200, %add3A_201 : vector<256xi32>
    %swap3A_203 = arith.constant 0 : index
    %swap3A_204 = arith.constant 0 : index
    %swap3A_205 = arith.constant 12 : index
    %swap3A_206 = vector.load %arg6[%swap3A_203, %swap3A_204, %swap3A_205] : memref<1x256x20xi32, #tpu.memory_space<vmem>>, vector<1x256x1xi32>
    %swap3A_207 = vector.shape_cast %swap3A_206 : vector<1x256x1xi32> to vector<256xi32>
    %swap3A_208 = vector.shape_cast %add3A_202 : vector<256xi32> to vector<1x256x1xi32>
    tpu.vector_store %arg6[%swap3A_203, %swap3A_204, %swap3A_205], %swap3A_208 {strides = array<i32>} : memref<1x256x20xi32, #tpu.memory_space<vmem>>, vector<1x256x1xi32>,
    %broadcast_in_dim3A_209 = vector.shape_cast %argmax3A_200 : vector<256xi32> to vector<256x1xi32>
    %eq3A_210 = vector.broadcast %broadcast_in_dim3A_209 : vector<256x1xi32> to vector<256x2048xi32>
    %eq3A_211 = arith.cmpi eq, %iota3A, %eq3A_210 : vector<256x2048xi32>
    %jit3A_212 = arith.constant 0xFF800000 : f32
    %broadcast_in_dim3A_213 = vector.broadcast %jit3A_212 : f32 to vector<256x2048xf32>
    %select_n3A_214 = arith.select %eq3A_211, %broadcast_in_dim3A_213, %select_n3A_199 : vector<256x2048xi1>, vector<256x2048xf32>
    %argmax3A_215 = tpu.reduce_index %select_n3A_214 {axis = 1 : i32, kind = #tpu.reduction_kind<arg_max>} : vector<256x2048xf32> -> vector<256xi32>
    %add3A_216 = vector.broadcast %mul3A_26 : i32 to vector<256xi32>
    %add3A_217 = arith.addi %argmax3A_215, %add3A_216 : vector<256xi32>
    %swap3A_218 = arith.constant 0 : index
    %swap3A_219 = arith.constant 0 : index
    %swap3A_220 = arith.constant 13 : index
    %swap3A_221 = vector.load %arg6[%swap3A_218, %swap3A_219, %swap3A_220] : memref<1x256x20xi32, #tpu.memory_space<vmem>>, vector<1x256x1xi32>
    %swap3A_222 = vector.shape_cast %swap3A_221 : vector<1x256x1xi32> to vector<256xi32>
    %swap3A_223 = vector.shape_cast %add3A_217 : vector<256xi32> to vector<1x256x1xi32>
    tpu.vector_store %arg6[%swap3A_218, %swap3A_219, %swap3A_220], %swap3A_223 {strides = array<i32>} : memref<1x256x20xi32, #tpu.memory_space<vmem>>, vector<1x256x1xi32>,
    %broadcast_in_dim3A_224 = vector.shape_cast %argmax3A_215 : vector<256xi32> to vector<256x1xi32>
    %eq3A_225 = vector.broadcast %broadcast_in_dim3A_224 : vector<256x1xi32> to vector<256x2048xi32>
    %eq3A_226 = arith.cmpi eq, %iota3A, %eq3A_225 : vector<256x2048xi32>
    %jit3A_227 = arith.constant 0xFF800000 : f32
    %broadcast_in_dim3A_228 = vector.broadcast %jit3A_227 : f32 to vector<256x2048xf32>
    %select_n3A_229 = arith.select %eq3A_226, %broadcast_in_dim3A_228, %select_n3A_214 : vector<256x2048xi1>, vector<256x2048xf32>
    %argmax3A_230 = tpu.reduce_index %select_n3A_229 {axis = 1 : i32, kind = #tpu.reduction_kind<arg_max>} : vector<256x2048xf32> -> vector<256xi32>
    %add3A_231 = vector.broadcast %mul3A_26 : i32 to vector<256xi32>
    %add3A_232 = arith.addi %argmax3A_230, %add3A_231 : vector<256xi32>
    %swap3A_233 = arith.constant 0 : index
    %swap3A_234 = arith.constant 0 : index
    %swap3A_235 = arith.constant 14 : index
    %swap3A_236 = vector.load %arg6[%swap3A_233, %swap3A_234, %swap3A_235] : memref<1x256x20xi32, #tpu.memory_space<vmem>>, vector<1x256x1xi32>
    %swap3A_237 = vector.shape_cast %swap3A_236 : vector<1x256x1xi32> to vector<256xi32>
    %swap3A_238 = vector.shape_cast %add3A_232 : vector<256xi32> to vector<1x256x1xi32>
    tpu.vector_store %arg6[%swap3A_233, %swap3A_234, %swap3A_235], %swap3A_238 {strides = array<i32>} : memref<1x256x20xi32, #tpu.memory_space<vmem>>, vector<1x256x1xi32>,
    %broadcast_in_dim3A_239 = vector.shape_cast %argmax3A_230 : vector<256xi32> to vector<256x1xi32>
    %eq3A_240 = vector.broadcast %broadcast_in_dim3A_239 : vector<256x1xi32> to vector<256x2048xi32>
    %eq3A_241 = arith.cmpi eq, %iota3A, %eq3A_240 : vector<256x2048xi32>
    %jit3A_242 = arith.constant 0xFF800000 : f32
    %broadcast_in_dim3A_243 = vector.broadcast %jit3A_242 : f32 to vector<256x2048xf32>
    %select_n3A_244 = arith.select %eq3A_241, %broadcast_in_dim3A_243, %select_n3A_229 : vector<256x2048xi1>, vector<256x2048xf32>
    %argmax3A_245 = tpu.reduce_index %select_n3A_244 {axis = 1 : i32, kind = #tpu.reduction_kind<arg_max>} : vector<256x2048xf32> -> vector<256xi32>
    %add3A_246 = vector.broadcast %mul3A_26 : i32 to vector<256xi32>
    %add3A_247 = arith.addi %argmax3A_245, %add3A_246 : vector<256xi32>
    %swap3A_248 = arith.constant 0 : index
    %swap3A_249 = arith.constant 0 : index
    %swap3A_250 = arith.constant 15 : index
    %swap3A_251 = vector.load %arg6[%swap3A_248, %swap3A_249, %swap3A_250] : memref<1x256x20xi32, #tpu.memory_space<vmem>>, vector<1x256x1xi32>
    %swap3A_252 = vector.shape_cast %swap3A_251 : vector<1x256x1xi32> to vector<256xi32>
    %swap3A_253 = vector.shape_cast %add3A_247 : vector<256xi32> to vector<1x256x1xi32>
    tpu.vector_store %arg6[%swap3A_248, %swap3A_249, %swap3A_250], %swap3A_253 {strides = array<i32>} : memref<1x256x20xi32, #tpu.memory_space<vmem>>, vector<1x256x1xi32>,
    %broadcast_in_dim3A_254 = vector.shape_cast %argmax3A_245 : vector<256xi32> to vector<256x1xi32>
    %eq3A_255 = vector.broadcast %broadcast_in_dim3A_254 : vector<256x1xi32> to vector<256x2048xi32>
    %eq3A_256 = arith.cmpi eq, %iota3A, %eq3A_255 : vector<256x2048xi32>
    %jit3A_257 = arith.constant 0xFF800000 : f32
    %broadcast_in_dim3A_258 = vector.broadcast %jit3A_257 : f32 to vector<256x2048xf32>
    %select_n3A_259 = arith.select %eq3A_256, %broadcast_in_dim3A_258, %select_n3A_244 : vector<256x2048xi1>, vector<256x2048xf32>
    %argmax3A_260 = tpu.reduce_index %select_n3A_259 {axis = 1 : i32, kind = #tpu.reduction_kind<arg_max>} : vector<256x2048xf32> -> vector<256xi32>
    %add3A_261 = vector.broadcast %mul3A_26 : i32 to vector<256xi32>
    %add3A_262 = arith.addi %argmax3A_260, %add3A_261 : vector<256xi32>
    %swap3A_263 = arith.constant 0 : index
    %swap3A_264 = arith.constant 0 : index
    %swap3A_265 = arith.constant 16 : index
    %swap3A_266 = vector.load %arg6[%swap3A_263, %swap3A_264, %swap3A_265] : memref<1x256x20xi32, #tpu.memory_space<vmem>>, vector<1x256x1xi32>
    %swap3A_267 = vector.shape_cast %swap3A_266 : vector<1x256x1xi32> to vector<256xi32>
    %swap3A_268 = vector.shape_cast %add3A_262 : vector<256xi32> to vector<1x256x1xi32>
    tpu.vector_store %arg6[%swap3A_263, %swap3A_264, %swap3A_265], %swap3A_268 {strides = array<i32>} : memref<1x256x20xi32, #tpu.memory_space<vmem>>, vector<1x256x1xi32>,
    %broadcast_in_dim3A_269 = vector.shape_cast %argmax3A_260 : vector<256xi32> to vector<256x1xi32>
    %eq3A_270 = vector.broadcast %broadcast_in_dim3A_269 : vector<256x1xi32> to vector<256x2048xi32>
    %eq3A_271 = arith.cmpi eq, %iota3A, %eq3A_270 : vector<256x2048xi32>
    %jit3A_272 = arith.constant 0xFF800000 : f32
    %broadcast_in_dim3A_273 = vector.broadcast %jit3A_272 : f32 to vector<256x2048xf32>
    %select_n3A_274 = arith.select %eq3A_271, %broadcast_in_dim3A_273, %select_n3A_259 : vector<256x2048xi1>, vector<256x2048xf32>
    %argmax3A_275 = tpu.reduce_index %select_n3A_274 {axis = 1 : i32, kind = #tpu.reduction_kind<arg_max>} : vector<256x2048xf32> -> vector<256xi32>
    %add3A_276 = vector.broadcast %mul3A_26 : i32 to vector<256xi32>
    %add3A_277 = arith.addi %argmax3A_275, %add3A_276 : vector<256xi32>
    %swap3A_278 = arith.constant 0 : index
    %swap3A_279 = arith.constant 0 : index
    %swap3A_280 = arith.constant 17 : index
    %swap3A_281 = vector.load %arg6[%swap3A_278, %swap3A_279, %swap3A_280] : memref<1x256x20xi32, #tpu.memory_space<vmem>>, vector<1x256x1xi32>
    %swap3A_282 = vector.shape_cast %swap3A_281 : vector<1x256x1xi32> to vector<256xi32>
    %swap3A_283 = vector.shape_cast %add3A_277 : vector<256xi32> to vector<1x256x1xi32>
    tpu.vector_store %arg6[%swap3A_278, %swap3A_279, %swap3A_280], %swap3A_283 {strides = array<i32>} : memref<1x256x20xi32, #tpu.memory_space<vmem>>, vector<1x256x1xi32>,
    %broadcast_in_dim3A_284 = vector.shape_cast %argmax3A_275 : vector<256xi32> to vector<256x1xi32>
    %eq3A_285 = vector.broadcast %broadcast_in_dim3A_284 : vector<256x1xi32> to vector<256x2048xi32>
    %eq3A_286 = arith.cmpi eq, %iota3A, %eq3A_285 : vector<256x2048xi32>
    %jit3A_287 = arith.constant 0xFF800000 : f32
    %broadcast_in_dim3A_288 = vector.broadcast %jit3A_287 : f32 to vector<256x2048xf32>
    %select_n3A_289 = arith.select %eq3A_286, %broadcast_in_dim3A_288, %select_n3A_274 : vector<256x2048xi1>, vector<256x2048xf32>
    %argmax3A_290 = tpu.reduce_index %select_n3A_289 {axis = 1 : i32, kind = #tpu.reduction_kind<arg_max>} : vector<256x2048xf32> -> vector<256xi32>
    %add3A_291 = vector.broadcast %mul3A_26 : i32 to vector<256xi32>
    %add3A_292 = arith.addi %argmax3A_290, %add3A_291 : vector<256xi32>
    %swap3A_293 = arith.constant 0 : index
    %swap3A_294 = arith.constant 0 : index
    %swap3A_295 = arith.constant 18 : index
    %swap3A_296 = vector.load %arg6[%swap3A_293, %swap3A_294, %swap3A_295] : memref<1x256x20xi32, #tpu.memory_space<vmem>>, vector<1x256x1xi32>
    %swap3A_297 = vector.shape_cast %swap3A_296 : vector<1x256x1xi32> to vector<256xi32>
    %swap3A_298 = vector.shape_cast %add3A_292 : vector<256xi32> to vector<1x256x1xi32>
    tpu.vector_store %arg6[%swap3A_293, %swap3A_294, %swap3A_295], %swap3A_298 {strides = array<i32>} : memref<1x256x20xi32, #tpu.memory_space<vmem>>, vector<1x256x1xi32>,
    %broadcast_in_dim3A_299 = vector.shape_cast %argmax3A_290 : vector<256xi32> to vector<256x1xi32>
    %eq3A_300 = vector.broadcast %broadcast_in_dim3A_299 : vector<256x1xi32> to vector<256x2048xi32>
    %eq3A_301 = arith.cmpi eq, %iota3A, %eq3A_300 : vector<256x2048xi32>
    %jit3A_302 = arith.constant 0xFF800000 : f32
    %broadcast_in_dim3A_303 = vector.broadcast %jit3A_302 : f32 to vector<256x2048xf32>
    %select_n3A_304 = arith.select %eq3A_301, %broadcast_in_dim3A_303, %select_n3A_289 : vector<256x2048xi1>, vector<256x2048xf32>
    %argmax3A_305 = tpu.reduce_index %select_n3A_304 {axis = 1 : i32, kind = #tpu.reduction_kind<arg_max>} : vector<256x2048xf32> -> vector<256xi32>
    %add3A_306 = vector.broadcast %mul3A_26 : i32 to vector<256xi32>
    %add3A_307 = arith.addi %argmax3A_305, %add3A_306 : vector<256xi32>
    %swap3A_308 = arith.constant 0 : index
    %swap3A_309 = arith.constant 0 : index
    %swap3A_310 = arith.constant 19 : index
    %swap3A_311 = vector.load %arg6[%swap3A_308, %swap3A_309, %swap3A_310] : memref<1x256x20xi32, #tpu.memory_space<vmem>>, vector<1x256x1xi32>
    %swap3A_312 = vector.shape_cast %swap3A_311 : vector<1x256x1xi32> to vector<256xi32>
    %swap3A_313 = vector.shape_cast %add3A_307 : vector<256xi32> to vector<1x256x1xi32>
    tpu.vector_store %arg6[%swap3A_308, %swap3A_309, %swap3A_310], %swap3A_313 {strides = array<i32>} : memref<1x256x20xi32, #tpu.memory_space<vmem>>, vector<1x256x1xi32>,
    return
  }
  func.func @transform_0(%arg0: i32, %arg1: i32) -> (i32, i32, i32) {
    %c0_i32 = arith.constant 0 : i32
    %c0_i32_0 = arith.constant 0 : i32
    return %arg0, %arg1, %c0_i32 : i32, i32, i32
  }
  func.func @transform_1(%arg0: i32, %arg1: i32) -> (i32, i32, i32) {
    %c0_i32 = arith.constant 0 : i32
    %c0_i32_0 = arith.constant 0 : i32
    %c0_i32_1 = arith.constant 0 : i32
    return %arg0, %c0_i32, %c0_i32_0 : i32, i32, i32
  }
  func.func @transform_2(%arg0: i32, %arg1: i32) -> (i32, i32, i32) {
    %c0_i32 = arith.constant 0 : i32
    %c0_i32_0 = arith.constant 0 : i32
    return %arg0, %arg1, %c0_i32 : i32, i32, i32
  }
  func.func @transform_3(%arg0: i32, %arg1: i32) -> (i32, i32, i32) {
    %c0_i32 = arith.constant 0 : i32
    %c0_i32_0 = arith.constant 0 : i32
    %c0_i32_1 = arith.constant 0 : i32
    return %arg0, %c0_i32, %c0_i32_0 : i32, i32, i32
  }
  func.func @transform_4(%arg0: i32, %arg1: i32) -> (i32, i32, i32) {
    %c0_i32 = arith.constant 0 : i32
    %c0_i32_0 = arith.constant 0 : i32
    return %arg0, %arg1, %c0_i32 : i32, i32, i32
  }
}

</mosaic_0001>

<sc_bundles>
// kernel: kernel.4.cloned.1.call-start
scs
__scs_entry_jumppad:
0x0: {  	(pc) =	sbr.rel $0x88, $3  }
0x1: {  	(tag) =	ssettag $0x0;
	lr =	simm.s32 $0x1  }
0x2: {  	[smem:$0x3FA0] =	sst lr;
	_ =	strace $0xD0000000  }
0x3: {  	_ = 	snop  }
0x4: {  	_ = 	snop  }
0x5: {  	_ = 	snop  }
0x6: {  	_ = 	snop  }
0x7: {  	_ = 	snop  }
__scs_overlays_trampoline_lowered:
0x8: {  	[smem:$0x3FAF] =	sst s0  }
0x9: {  	[smem:$0x3FB0] =	sst s1  }
0xa: {  	[smem:$0x3FB1] =	sst s2  }
0xb: {  	[smem:$0x3FB2] =	sst s3  }
0xc: {  	[smem:$0x3FB3] =	sst s4  }
0xd: {  	[smem:$0x3FB4] =	sst s5  }
0xe: {  	[smem:$0x3FB5] =	sst s6  }
0xf: {  	[smem:$0x3FB6] =	sst s7  }
0x10: {  	[smem:$0x3FB7] =	sst s8  }
0x11: {  	[smem:$0x3FB8] =	sst s9;
	s0 =	simm.s32 @!p0 $0x0  }
0x12: {  	s1 =	sld [smem:$0x3F9E];
	s0 =	simm.s32 @p0 $0x1  }
0x13: {  	[smem:$0x3FB9] =	sst s0;
	s0 =	simm.s32 @!p1 $0x0  }
0x14: {  	s2 =	sld [smem:$0x3F9D];
	s0 =	simm.s32 @p1 $0x1  }
0x15: {  	[smem:$0x3FBA] =	sst s0;
	s0 =	simm.s32 @!p2 $0x0  }
0x16: {  	s3 =	sld [smem:$0x3FDB];
	s0 =	simm.s32 @p2 $0x1  }
0x17: {  	s4 =	simm.s32 $0x1BF5;
	[smem:$0x3FBC] =	sst s0  }
0x18: {  	s0 =	sld [smem:$0x3F9F];
	_ =	swait.ge [sflag:s4], $0x0  }
0x19: {  	s7 =	sld [smem:$0x3FA0]  }
0x1a: {  	s8 =	sadd.s32 $0xFFFFE003, lr  }
0x1b: {  	s9 =	sadd.s32 $0xFFFFFEF7, lr;
	s5 =	simm.s32 $0xFFFFFFFF;
	p2 =	slt.u32 s8, $0xFFFFF086  }
0x1c: {  	p1 =	slt.u32 s9, $0xF7A;
	s5 =	simm.s32 @!p2 $0x0  }
0x1d: {  	s5 =	simm.s32 @p1 $0x1;
	p0 =	seq.s32 s7, s2  }
0x1e: {  	s7 =	smul.u32 @!p0 $0xF7A, s2;
	p2 =	seq.s32 @!p0 s5, $0x0  }
0x1f: {  	s9 =	smul.u32 $0xF7A, s1;
	s8 =	simm.s32 @!p0 $0x1BF5;
	p2 =	por !p2, p0  }
0x20: {  	[sflag:s8] =	ssyncset.s32 @!p0 $0xFFFFF086;
	s6 =	sadd.s32 @!p0 s3, s7;
	s7 =	simm.s32 @!p0 $0x108  }
0x21: {  	s3 =	sadd.s32 s3, s9;
	s6 =	sadd.s32 @!p0 $0x88, s6;
	s7 =	simm.s32 @p2 $0x1082  }
0x22: {  	[simem:s7], [sflag:s8] =	dma.local @!p0 [hbm:s6], $0xF7A  }
0x23: {  	s9 =	sor.u32 $0xD0000000, s2;
	s6 =	simm.s32 $0x108;
	_ =	swait.ge @!p0 [sflag:s8], $0x0  }
0x24: {  	s3 =	sadd.s32 $0x88, s3;
	s6 =	simm.s32 @!p1 $0x1082;
	[sflag:s4] =	ssyncset.s32 $0xFFFFF086  }
0x25: {  	[simem:s6], [sflag:s4] =	dma.local [hbm:s3], $0xF7A  }
0x26: {  	[smem:$0x3FA0] =	sst s1;
	(tag) =	ssettag s2;
	_ =	strace s9  }
0x27: {  	s1 =	sld [smem:$0x3FB0]  }
0x28: {  	s2 =	sld [smem:$0x3FB1]  }
0x29: {  	s4 =	sld [smem:$0x3FB3]  }
0x2a: {  	p0 =	seq.s32 s5, $0x0;
	s5 =	sld [smem:$0x3FB4]  }
0x2b: {  	s6 =	sld [smem:$0x3FB5]  }
0x2c: {  	s7 =	sld [smem:$0x3FB6]  }
0x2d: {  	s3 =	simm.s32 $0x108;
	s8 =	sld [smem:$0x3FB7]  }
0x2e: {  	s3 =	simm.s32 @!p0 $0x1082;
	s9 =	sld [smem:$0x3FB8]  }
0x2f: {  	lr =	sadd.s32 s0, s3;
	s0 =	sld [smem:$0x3FAF]  }
0x30: {  	s3 =	sld [smem:$0x3FB2]  }
0x31: {  	[smem:$0x3FBB] =	sst s10  }
0x32: {  	s10 =	sld [smem:$0x3FB9];
	_ =	sdelay $0x3  }
0x33: {  	p0 =	seq.s32 s10, $0x1;
	s10 =	sld [smem:$0x3FBB];
	_ =	sdelay $0x3  }
0x34: {  	[smem:$0x3FBB] =	sst s10  }
0x35: {  	s10 =	sld [smem:$0x3FBA];
	_ =	sdelay $0x3  }
0x36: {  	p1 =	seq.s32 s10, $0x1;
	s10 =	sld [smem:$0x3FBB];
	_ =	sdelay $0x3  }
0x37: {  	[smem:$0x3FBB] =	sst s10  }
0x38: {  	s10 =	sld [smem:$0x3FBC]  }
0x39: {  	_ = 	snop;
	(pc) =	sbr.ind lr, $3  }
0x3a: {  	_ = 	snop  }
0x3b: {  	_ = 	snop  }
0x3c: {  	p2 =	seq.s32 s10, $0x1;
	s10 =	sld [smem:$0x3FBB]  }
0x3d: {  	_ =	shalt  }
0x3e: {  	_ =	shalt  }
0x3f: {  	_ =	shalt  }
0x40: {  	_ =	shalt  }
0x41: {  	_ =	shalt  }
0x42: {  	_ =	shalt  }
0x43: {  	_ =	shalt  }
0x44: {  	_ =	shalt  }
0x45: {  	_ =	shalt  }
0x46: {  	_ =	shalt  }
0x47: {  	_ =	shalt  }
0x48: {  	_ =	shalt  }
0x49: {  	_ =	shalt  }
0x4a: {  	_ =	shalt  }
0x4b: {  	_ =	shalt  }
0x4c: {  	_ =	shalt  }
0x4d: {  	_ =	shalt  }
0x4e: {  	_ =	shalt  }
0x4f: {  	_ =	shalt  }
0x50: {  	_ =	shalt  }
0x51: {  	_ =	shalt  }
0x52: {  	_ =	shalt  }
0x53: {  	_ =	shalt  }
0x54: {  	_ =	shalt  }
0x55: {  	_ =	shalt  }
0x56: {  	_ =	shalt  }
0x57: {  	_ =	shalt  }
0x58: {  	_ =	shalt  }
0x59: {  	_ =	shalt  }
0x5a: {  	_ =	shalt  }
0x5b: {  	_ =	shalt  }
0x5c: {  	_ =	shalt  }
0x5d: {  	_ =	shalt  }
0x5e: {  	_ =	shalt  }
0x5f: {  	_ =	shalt  }
0x60: {  	_ =	shalt  }
0x61: {  	_ =	shalt  }
0x62: {  	_ =	shalt  }
0x63: {  	_ =	shalt  }
0x64: {  	_ =	shalt  }
0x65: {  	_ =	shalt  }
0x66: {  	_ =	shalt  }
0x67: {  	_ =	shalt  }
0x68: {  	_ =	shalt  }
0x69: {  	_ =	shalt  }
0x6a: {  	_ =	shalt  }
0x6b: {  	_ =	shalt  }
0x6c: {  	_ =	shalt  }
0x6d: {  	_ =	shalt  }
0x6e: {  	_ =	shalt  }
0x6f: {  	_ =	shalt  }
0x70: {  	_ =	shalt  }
0x71: {  	_ =	shalt  }
0x72: {  	_ =	shalt  }
0x73: {  	_ =	shalt  }
0x74: {  	_ =	shalt  }
0x75: {  	_ =	shalt  }
0x76: {  	_ =	shalt  }
0x77: {  	_ =	shalt  }
0x78: {  	_ =	shalt  }
0x79: {  	_ =	shalt  }
0x7a: {  	_ =	shalt  }
0x7b: {  	_ =	shalt  }
0x7c: {  	_ =	shalt  }
0x7d: {  	_ =	shalt  }
0x7e: {  	_ =	shalt  }
0x7f: {  	_ =	shalt  }
0x80: {  	_ =	shalt  }
0x81: {  	_ =	shalt  }
0x82: {  	_ =	shalt  }
0x83: {  	_ =	shalt  }
0x84: {  	_ =	shalt  }
0x85: {  	_ =	shalt  }
0x86: {  	_ =	shalt  }
0x87: {  	_ =	shalt  }
.Lfunc_end0:
.L_simem_size_0:
called_computation_lowered:
.L_overlay_start_0:
0x88: {  	s2 =	sld [smem:$0x3FD9]  }
0x89: {  	s3 =	sld [smem:$0x3FFE];
	_ =	sdelay $0x1  }
0x8a: {  	s1 =	srdreg.scid  }
0x8b: {  	s0 =	sand.u32 $0x1, s1  }
0x8c: {  	s17 =	sshll.u32 s0, $0xA;
	s2 =	sadd.s32 s3, s2  }
0x8d: {  	s2 =	sadd.s32 s2, s17  }
0x8e: {  	[smem:$0x3FC7] =	sst s2  }
0x8f: {  	_ = 	snop  }
0x90: {  	s2 =	sld [smem:$0x3FD0];
	(tm) =	ssettm $0x1  }
0x91: {  	s18 =	sld [smem:$0x3FFB];
	_ =	sdelay $0x3  }
0x92: {  	_ =	strace s18  }
0x93: {  	s3 =	sld [smem:$0x3FFC];
	_ =	sdelay $0x3  }
0x94: {  	_ =	strace s3  }
0x95: {  	s3 =	sld [smem:$0x3FFD];
	_ =	sdelay $0x3  }
0x96: {  	_ =	strace s3  }
0x97: {  	_ =	strace $0x8FFFFFFF  }
0x98: {  	s19 =	sld [smem:$0x3FDB];
	_ =	sdelay $0x1  }
0x99: {  	s4 =	simm.s32 $_scs_section_size  }
0x9a: {  	s5 =	simm.s32 $_size__tile_overlayer_lowered;
	s6 =	simm.s32 $_tile_overlayer_lowered  }
0x9b: {  	s22 =	simm.s32 $0x1BFF;
	s21 =	sshll.u32 s6, $0x1;
	s3 =	sadd.s32 s4, s19  }
0x9c: {  	s7 =	simm.s32 $0x0;
	s20 =	sshll.u32 s5, $0x1;
	s5 =	sadd.s32 s21, s3  }
0x9d: {  	[timem:s7], [sflag:s22] =	dma.local [hbm:s5], s20  }
0x9e: {  	_ =	swait.ge [sflag:s22], s20  }
0x9f: {  	s4 =	ssub.s32 $0x0, s20;
	[sflag:s22] =	ssyncset.done $0x0  }
0xa0: {  	[sflag:s22] =	ssyncadd.s32 s4;
	_ =	sdelay $0x1  }
0xa1: {  	s23 =	simm.s32 $0x1B8B  }
0xa2: {  	_ =	swait.ge [sflag:s23], $0x1  }
0xa3: {  	[sflag:s23] =	ssyncset.done $0x0  }
0xa4: {  	s25 =	simm.s32 $0x1B8E;
	s24 =	sld [smem:$0x3FFE];
	[sflag:s23] =	ssyncadd.s32 $0xFFFFFFFF  }
0xa5: {  	s26 =	simm.s32 $execute0_lowered;
	[smem:$0x3FD2] =	sst s25  }
0xa6: {  	s5 =	sshll.u32 s26, $0x1;
	_ =	strace $0x80000046;
	[dreg:$0x1] =	wrdreg $0xFFFFFFFF  }
0xa7: {  	s28 =	simm.s32 $_size_execute0_lowered;
	s3 =	sadd.s32 s3, s5;
	[dreg:$0x0] =	wrdreg $0x0  }
0xa8: {  	s5 =	sshll.u32 s28, $0x1;
	[dreg:$0x2] =	wrdreg s3  }
0xa9: {  	[dreg:$0x3] =	wrdreg s5  }
0xaa: {  	[dreg:$0x4] =	wrdreg $0xC0  }
0xab: {  	_ =	task [dreg:s7], $0x5FFFF  }
0xac: {  	[dreg:$0x1] =	wrdreg $0xFFFFFFFF  }
0xad: {  	[dreg:$0x0] =	wrdreg $0x60  }
0xae: {  	[dreg:$0x2] =	wrdreg s24  }
0xaf: {  	[dreg:$0x3] =	wrdreg s2  }
0xb0: {  	[dreg:$0x4] =	wrdreg $0x9  }
0xb1: {  	_ =	task.clear_ibuf [dreg:s7], $0x5FFFF;
	_ =	strace $0x90000046  }
0xb2: {  	s29 =	simm.s32 $0x9;
	_ =	strace $0x80000048  }
0xb3: {  	_ =	swait.ge [sflag:s29], $0x1  }
0xb4: {  	[sflag:s29] =	ssyncadd.s32 $0xFFFFFFFF  }
0xb5: {  	_ =	strace $0x90000048  }
0xb6: {  	_ =	sfence  }
0xb7: {  	s30 =	sld [smem:$0x0];
	_ =	sdelay $0x2  }
0xb8: {  	s31 =	sshll.u32 s1, $0xD;
	s1 =	sshrl.u32 s1, $0x2  }
0xb9: {  	s3 =	sand.u32 $0x4000, s31;
	s1 =	sadd.s32 s1, s30  }
0xba: {  	s0 =	sor.u32 s3, s0;
	s1 =	sshll.u32 s1, $0x11  }
0xbb: {  	s0 =	sor.u32 s1, s0  }
0xbc: {  	s0 =	sadd.s32 $0x8F2B, s0  }
0xbd: {  	[sflag:s0] =	ssyncadd.remote.s32 $0x1  }
0xbe: {  	_ =	sfence.sel $0xFFFF  }
0xbf: {  	[dreg:$0x0] =	wrdreg $0xFFFFFFFF;
	(pc) =	sbr.abs _section_cstart, $3  }
0xc0: {  	[dreg:$0x1] =	wrdreg $0xFFFFFFFF  }
0xc1: {  	_ =	task.clear_ibuf [dreg:s7], $0x2FFFF;
	_ =	strace $0x9FFFFFFF  }
0xc2: {  	(tm) =	ssettm $0x7FFFFFFF  }
0xc3: {  	_ =	shalt  }
tec
execute0_lowered:
.L_overlay_start_1:
0x0: {  	(tag) =	ssettag $0x1  }
0x1: {  	s0 =	rddreg [dreg:$0x0];
	s1 =	srdreg.scid  }
0x2: {  	s7 =	stileid.u32;
	s2 =	rddreg [dreg:$0x1];
	s3 =	simm.s32 $0x0  }
0x3: {  	s13 =	simm.s32 $0xB;
	s14 =	simm.s32 $0x2800;
	s15 =	simm.s32 $0x80  }
0x4: {  	s16 =	simm.s32 $0x16800;
	s17 =	simm.s32 $0x1;
	s18 =	simm.s32 $0x6800  }
0x5: {  	s19 =	simm.s32 $0x2;
	s20 =	simm.s32 $0xA800;
	s21 =	simm.s32 $0x3  }
0x6: {  	s22 =	simm.s32 $0xE800;
	s23 =	simm.s32 $0x4;
	s24 =	simm.s32 $0x12800  }
0x7: {  	s25 =	simm.s32 $0x5;
	s30 =	simm.s32 $0x9;
	s31 =	simm.s32 $0xA  }
0x8: {  	s1 =	sand.u32 $0x1, s1;
	s4 =	sshll.u32 s7, $0x1;
	[smem:$0x7FF] =	sst s3  }
0x9: {  	s5 =	sadd.s32 $0x200, s0;
	s7 =	sshll.u32 s7, $0xE;
	s4 =	sor.u32 s1, s4  }
0xa: {  	s1 =	ssub.s32 $0x2, s1;
	s7 =	sand.u32 $0x38000, s7;
	s4 =	smul.u32 $0x2800, s4  }
0xb: {  	_ =	strace $0x80000047;
	s28 =	sshrl.u32 s1, $0x1;
	s7 =	sadd.s32 s5, s7  }
0xc: {  	s1 =	ssub.s32 s1, s28;
	s6 =	sshrl.u32 s4, $0x3;
	s8 =	sadd.s32 $0x800, s4  }
0xd: {  	s9 =	sadd.s32 $0x1000, s4;
	s29 =	smax.u32 s1, $0x1;
	s0 =	sadd.s32 s6, s0  }
0xe: {  	s10 =	sadd.s32 $0x1800, s4;
	[dreg:$0x4] =	wrdreg s29;
	s0 =	sadd.s32 $0x40200, s0  }
0xf: {  	s11 =	sadd.s32 $0x2000, s4;
	s1 =	simm.s32 $0x0;
	[dreg:$0x3] =	wrdreg s0  }
.LBB2_1:
0x10: {  	s0 =	rddreg [dreg:$0x3]  }
0x11: {  	[tilespmem:s3], [sflag:$0xB] =	stream.linear.gather [hbm4b:s0+s3], $0x2800, $0x38;
	[tilespmem:$0x1A800] =	vst v63  }
0x12: {  	_ =	swait.ge [sflag:s13], $0x2800  }
0x13: {  	[sflag:s13] =	ssyncset.done $0x0  }
0x14: {  	s0 =	simm.s32 $0x0;
	[sflag:s13] =	ssyncadd.s32 $0xFFFFD800  }
.LBB2_2:
0x15: {  	s6 =	sshll.u32 s0, $0xB  }
0x16: {  	s6 =	sadd.s32 s6, s7  }
0x17: {  	[tilespmem:s14], [sflag:$0xB] =	stream.linear.gather [hbm4b:s6+s3], $0x4000, $0x38;
	[tilespmem:$0x1A800] =	vst v63  }
0x18: {  	_ =	swait.ge [sflag:s13], $0x4000  }
0x19: {  	p0 =	sne.s32 s0, $0x0;
	[sflag:s13] =	ssyncset.done $0x0  }
0x1a: {  	s12 =	simm.s32 @p0 $0x6;
	[sflag:s13] =	ssyncadd.s32 $0xFFFFC000  }
0x1b: {  	_ =	swait.ge @p0 [sflag:s12], $0x4000  }
0x1c: {  	s26 =	simm.s32 @p0 $0x6800;
	[sflag:s12] =	ssyncset.done @p0 $0x0  }
0x1d: {  	s6 =	sshll.u32 s0, $0x7;
	[sflag:s12] =	ssyncadd.s32 @p0 $0xFFFFC000;
	s12 =	simm.s32 @p0 $0x80  }
0x1e: {  	[tilespmem:s26], [sflag:$0x1] =	stream.indirect.gather @p0 [hbm4b:s5+s12], $0x80, s6, s12, $0xb8;
	[tilespmem:$0x1A800] =	vst v63  }
0x1f: {  	s26 =	simm.s32 @p0 $0x7  }
0x20: {  	s28 =	sshll.u32 @p0 s0, $0x7;
	_ =	swait.ge @p0 [sflag:s26], $0x4000  }
0x21: {  	s28 =	sand.u32 @p0 $0x3FFFFF80, s28;
	[sflag:s26] =	ssyncset.done @p0 $0x0  }
0x22: {  	s29 =	simm.s32 @p0 $0xA800;
	[sflag:s26] =	ssyncadd.s32 @p0 $0xFFFFC000;
	s26 =	sadd.s32 @p0 $0x800, s28  }
0x23: {  	[tilespmem:s29], [sflag:$0x2] =	stream.indirect.gather @p0 [hbm4b:s5+s12], $0x80, s26, s12, $0xb8;
	[tilespmem:$0x1A800] =	vst v63  }
0x24: {  	s26 =	simm.s32 @p0 $0x8  }
0x25: {  	_ =	swait.ge @p0 [sflag:s26], $0x4000  }
0x26: {  	[sflag:s26] =	ssyncset.done @p0 $0x0  }
0x27: {  	s29 =	simm.s32 @p0 $0xE800;
	[sflag:s26] =	ssyncadd.s32 @p0 $0xFFFFC000;
	s26 =	sadd.s32 @p0 $0x1000, s28  }
0x28: {  	[tilespmem:s29], [sflag:$0x3] =	stream.indirect.gather @p0 [hbm4b:s5+s12], $0x80, s26, s12, $0xb8;
	[tilespmem:$0x1A800] =	vst v63  }
0x29: {  	s26 =	simm.s32 @p0 $0x9  }
0x2a: {  	_ =	swait.ge @p0 [sflag:s26], $0x4000  }
0x2b: {  	[sflag:s26] =	ssyncset.done @p0 $0x0  }
0x2c: {  	s29 =	simm.s32 @p0 $0x12800;
	[sflag:s26] =	ssyncadd.s32 @p0 $0xFFFFC000;
	s26 =	sadd.s32 @p0 $0x1800, s28  }
0x2d: {  	[tilespmem:s29], [sflag:$0x4] =	stream.indirect.gather @p0 [hbm4b:s5+s12], $0x80, s26, s12, $0xb8;
	[tilespmem:$0x1A800] =	vst v63  }
0x2e: {  	s12 =	simm.s32 @p0 $0xA  }
0x2f: {  	_ =	swait.ge @p0 [sflag:s12], $0x4000  }
0x30: {  	[sflag:s12] =	ssyncset.done @p0 $0x0  }
0x31: {  	s26 =	simm.s32 @!p0 $0x6800;
	[sflag:s12] =	ssyncadd.s32 @p0 $0xFFFFC000;
	s12 =	simm.s32 @!p0 $0x80  }
0x32: {  	[tilespmem:s26], [sflag:$0x1] =	stream.indirect.gather @!p0 [hbm4b:s5+s12], $0x80, s6, s12, $0xb8;
	[tilespmem:$0x1A800] =	vst v63  }
0x33: {  	s29 =	simm.s32 @!p0 $0xA800;
	s26 =	simm.s32 @!p0 $0x800  }
0x34: {  	[tilespmem:s29], [sflag:$0x2] =	stream.indirect.gather @!p0 [hbm4b:s5+s12], $0x80, s26, s12, $0xb8;
	[tilespmem:$0x1A800] =	vst v63  }
0x35: {  	s26 =	simm.s32 @!p0 $0x1000;
	s29 =	simm.s32 @!p0 $0xE800  }
0x36: {  	[tilespmem:s29], [sflag:$0x3] =	stream.indirect.gather @!p0 [hbm4b:s5+s12], $0x80, s26, s12, $0xb8;
	[tilespmem:$0x1A800] =	vst v63  }
0x37: {  	s28 =	simm.s32 @!p0 $0x0;
	s26 =	simm.s32 @!p0 $0x1800;
	s29 =	simm.s32 @!p0 $0x12800  }
0x38: {  	[tilespmem:s29], [sflag:$0x4] =	stream.indirect.gather @!p0 [hbm4b:s5+s12], $0x80, s26, s12, $0xb8;
	[tilespmem:$0x1A800] =	vst v63  }
0x39: {  	s29 =	sadd.s32 $0x2000, s28  }
0x3a: {  	[tilespmem:s16], [sflag:$0x5] =	stream.indirect.gather [hbm4b:s5+s15], $0x80, s29, s15, $0xb8;
	[tilespmem:$0x1A800] =	vst v63  }
0x3b: {  	_ =	swait.ge [sflag:s17], $0x4000  }
0x3c: {  	[sflag:s17] =	ssyncset.done $0x0  }
0x3d: {  	s12 =	simm.s32 $0x0;
	[sflag:s17] =	ssyncadd.s32 $0xFFFFC000  }
0x3e: {  	v1 =	vld [tilespmem:s12+$0x2830]  }
0x3f: {  	v2 =	vld [tilespmem:s12+$0x2800]  }
0x40: {  	v0 =	vld [tilespmem:s12+$0x2810]  }
0x41: {  	s26 =	simm.s32 $0x200;
	v3 =	vld [tilespmem:s12+$0x2820]  }
.LBB2_3:
0x42: {  	p0 =	sne.s32 s26, $0xFE00  }
.Ltmp0:
0x43: {  	s28 =	sshra.s32 s26, $0x2;
	s26 =	sadd.s32 $0x200, s26;
	[tilespmem:s12+$0x6870] =	vst v1;
	(pc) =	sbr.rel @p0 .LBB2_3-.Ltmp0, $4  }
0x44: {  	v1 =	vld [tilespmem:s28+$0x2830];
	[tilespmem:s12+$0x6840] =	vst v2  }
0x45: {  	v2 =	vld [tilespmem:s28+$0x2800];
	[tilespmem:s12+$0x6850] =	vst v0  }
0x46: {  	v0 =	vld [tilespmem:s28+$0x2810];
	[tilespmem:s12+$0x6860] =	vst v3;
	s12 =	smov.u32 s28  }
0x47: {  	v3 =	vld [tilespmem:s12+$0x2820]  }
0x48: {  	_ = 	snop  }
0x49: {  	[tilespmem:s12+$0x6870] =	vst v1  }
0x4a: {  	s26 =	sadd.s32 s4, s6;
	[tilespmem:s12+$0x6840] =	vst v2  }
0x4b: {  	s26 =	sshll.u32 s26, $0x4;
	[tilespmem:s12+$0x6850] =	vst v0  }
0x4c: {  	s29 =	simm.s32 $0x0;
	s28 =	sadd.s32 s2, s26;
	[tilespmem:s12+$0x6860] =	vst v3  }
0x4d: {  	[hbm4b:s28+s29] =	stream.linear.scatter [tilespmem:s18], [sflag:$0x6], $0x4000, $0x38;
	[tilespmem:$0x1A800] =	vst v63  }
0x4e: {  	_ =	swait.ge [sflag:s19], $0x4000  }
0x4f: {  	[sflag:s19] =	ssyncset.done $0x0  }
0x50: {  	s12 =	simm.s32 $0x0;
	[sflag:s19] =	ssyncadd.s32 $0xFFFFC000  }
0x51: {  	v1 =	vld [tilespmem:s12+$0x2830]  }
0x52: {  	v2 =	vld [tilespmem:s12+$0x2800]  }
0x53: {  	v0 =	vld [tilespmem:s12+$0x2810]  }
0x54: {  	s26 =	simm.s32 $0x200;
	v3 =	vld [tilespmem:s12+$0x2820]  }
.LBB2_5:
0x55: {  	p0 =	sne.s32 s26, $0xFE00  }
.Ltmp1:
0x56: {  	s28 =	sshra.s32 s26, $0x2;
	s26 =	sadd.s32 $0x200, s26;
	[tilespmem:s12+$0xA870] =	vst v1;
	(pc) =	sbr.rel @p0 .LBB2_5-.Ltmp1, $4  }
0x57: {  	v1 =	vld [tilespmem:s28+$0x2830];
	[tilespmem:s12+$0xA840] =	vst v2  }
0x58: {  	v2 =	vld [tilespmem:s28+$0x2800];
	[tilespmem:s12+$0xA850] =	vst v0  }
0x59: {  	v0 =	vld [tilespmem:s28+$0x2810];
	[tilespmem:s12+$0xA860] =	vst v3;
	s12 =	smov.u32 s28  }
0x5a: {  	v3 =	vld [tilespmem:s12+$0x2820]  }
0x5b: {  	_ = 	snop  }
0x5c: {  	[tilespmem:s12+$0xA870] =	vst v1  }
0x5d: {  	s26 =	sadd.s32 s8, s6;
	[tilespmem:s12+$0xA840] =	vst v2  }
0x5e: {  	s26 =	sshll.u32 s26, $0x4;
	[tilespmem:s12+$0xA850] =	vst v0  }
0x5f: {  	s29 =	simm.s32 $0x0;
	s28 =	sadd.s32 s2, s26;
	[tilespmem:s12+$0xA860] =	vst v3  }
0x60: {  	[hbm4b:s28+s29] =	stream.linear.scatter [tilespmem:s20], [sflag:$0x7], $0x4000, $0x38;
	[tilespmem:$0x1A800] =	vst v63  }
0x61: {  	_ =	swait.ge [sflag:s21], $0x4000  }
0x62: {  	[sflag:s21] =	ssyncset.done $0x0  }
0x63: {  	s12 =	simm.s32 $0x0;
	[sflag:s21] =	ssyncadd.s32 $0xFFFFC000  }
0x64: {  	v1 =	vld [tilespmem:s12+$0x2830]  }
0x65: {  	v2 =	vld [tilespmem:s12+$0x2800]  }
0x66: {  	v0 =	vld [tilespmem:s12+$0x2810]  }
0x67: {  	s26 =	simm.s32 $0x200;
	v3 =	vld [tilespmem:s12+$0x2820]  }
.LBB2_7:
0x68: {  	p0 =	sne.s32 s26, $0xFE00  }
.Ltmp2:
0x69: {  	s28 =	sshra.s32 s26, $0x2;
	s26 =	sadd.s32 $0x200, s26;
	[tilespmem:s12+$0xE870] =	vst v1;
	(pc) =	sbr.rel @p0 .LBB2_7-.Ltmp2, $4  }
0x6a: {  	v1 =	vld [tilespmem:s28+$0x2830];
	[tilespmem:s12+$0xE840] =	vst v2  }
0x6b: {  	v2 =	vld [tilespmem:s28+$0x2800];
	[tilespmem:s12+$0xE850] =	vst v0  }
0x6c: {  	v0 =	vld [tilespmem:s28+$0x2810];
	[tilespmem:s12+$0xE860] =	vst v3;
	s12 =	smov.u32 s28  }
0x6d: {  	v3 =	vld [tilespmem:s12+$0x2820]  }
0x6e: {  	_ = 	snop  }
0x6f: {  	[tilespmem:s12+$0xE870] =	vst v1  }
0x70: {  	s26 =	sadd.s32 s9, s6;
	[tilespmem:s12+$0xE840] =	vst v2  }
0x71: {  	s26 =	sshll.u32 s26, $0x4;
	[tilespmem:s12+$0xE850] =	vst v0  }
0x72: {  	s29 =	simm.s32 $0x0;
	s28 =	sadd.s32 s2, s26;
	[tilespmem:s12+$0xE860] =	vst v3  }
0x73: {  	[hbm4b:s28+s29] =	stream.linear.scatter [tilespmem:s22], [sflag:$0x8], $0x4000, $0x38;
	[tilespmem:$0x1A800] =	vst v63  }
0x74: {  	_ =	swait.ge [sflag:s23], $0x4000  }
0x75: {  	[sflag:s23] =	ssyncset.done $0x0  }
0x76: {  	s12 =	simm.s32 $0x0;
	[sflag:s23] =	ssyncadd.s32 $0xFFFFC000  }
0x77: {  	v1 =	vld [tilespmem:s12+$0x2830]  }
0x78: {  	v2 =	vld [tilespmem:s12+$0x2800]  }
0x79: {  	v0 =	vld [tilespmem:s12+$0x2810]  }
0x7a: {  	s26 =	simm.s32 $0x200;
	v3 =	vld [tilespmem:s12+$0x2820]  }
.LBB2_9:
0x7b: {  	p0 =	sne.s32 s26, $0xFE00  }
.Ltmp3:
0x7c: {  	s28 =	sshra.s32 s26, $0x2;
	s26 =	sadd.s32 $0x200, s26;
	[tilespmem:s12+$0x12870] =	vst v1;
	(pc) =	sbr.rel @p0 .LBB2_9-.Ltmp3, $4  }
0x7d: {  	v1 =	vld [tilespmem:s28+$0x2830];
	[tilespmem:s12+$0x12840] =	vst v2  }
0x7e: {  	v2 =	vld [tilespmem:s28+$0x2800];
	[tilespmem:s12+$0x12850] =	vst v0  }
0x7f: {  	v0 =	vld [tilespmem:s28+$0x2810];
	[tilespmem:s12+$0x12860] =	vst v3;
	s12 =	smov.u32 s28  }
0x80: {  	v3 =	vld [tilespmem:s12+$0x2820]  }
0x81: {  	_ = 	snop  }
0x82: {  	[tilespmem:s12+$0x12870] =	vst v1  }
0x83: {  	s26 =	sadd.s32 s10, s6;
	[tilespmem:s12+$0x12840] =	vst v2  }
0x84: {  	s26 =	sshll.u32 s26, $0x4;
	[tilespmem:s12+$0x12850] =	vst v0  }
0x85: {  	s29 =	simm.s32 $0x0;
	s28 =	sadd.s32 s2, s26;
	[tilespmem:s12+$0x12860] =	vst v3  }
0x86: {  	[hbm4b:s28+s29] =	stream.linear.scatter [tilespmem:s24], [sflag:$0x9], $0x4000, $0x38;
	[tilespmem:$0x1A800] =	vst v63  }
0x87: {  	_ =	swait.ge [sflag:s25], $0x4000  }
0x88: {  	[sflag:s25] =	ssyncset.done $0x0  }
0x89: {  	s12 =	simm.s32 $0x0;
	[sflag:s25] =	ssyncadd.s32 $0xFFFFC000  }
0x8a: {  	v1 =	vld [tilespmem:s12+$0x2830]  }
0x8b: {  	v2 =	vld [tilespmem:s12+$0x2800]  }
0x8c: {  	v0 =	vld [tilespmem:s12+$0x2810]  }
0x8d: {  	s26 =	simm.s32 $0x200;
	v3 =	vld [tilespmem:s12+$0x2820]  }
.LBB2_11:
0x8e: {  	p0 =	sne.s32 s26, $0xFE00  }
.Ltmp4:
0x8f: {  	s28 =	sshra.s32 s26, $0x2;
	s26 =	sadd.s32 $0x200, s26;
	[tilespmem:s12+$0x16870] =	vst v1;
	(pc) =	sbr.rel @p0 .LBB2_11-.Ltmp4, $4  }
0x90: {  	v1 =	vld [tilespmem:s28+$0x2830];
	[tilespmem:s12+$0x16840] =	vst v2  }
0x91: {  	v2 =	vld [tilespmem:s28+$0x2800];
	[tilespmem:s12+$0x16850] =	vst v0  }
0x92: {  	v0 =	vld [tilespmem:s28+$0x2810];
	[tilespmem:s12+$0x16860] =	vst v3;
	s12 =	smov.u32 s28  }
0x93: {  	v3 =	vld [tilespmem:s12+$0x2820]  }
0x94: {  	s0 =	sadd.s32 $0x1, s0  }
0x95: {  	p0 =	sne.s32 s0, $0x10  }
.Ltmp5:
0x96: {  	[tilespmem:s12+$0x16870] =	vst v1;
	(pc) =	sbr.rel @p0 .LBB2_2-.Ltmp5, $4  }
0x97: {  	s6 =	sadd.s32 s11, s6;
	[tilespmem:s12+$0x16840] =	vst v2  }
0x98: {  	s6 =	sshll.u32 s6, $0x4;
	[tilespmem:s12+$0x16850] =	vst v0  }
0x99: {  	s6 =	sadd.s32 s2, s6;
	[tilespmem:s12+$0x16860] =	vst v3  }
0x9a: {  	[hbm4b:s6+s3] =	stream.linear.scatter [tilespmem:s16], [sflag:$0xA], $0x4000, $0x38;
	[tilespmem:$0x1A800] =	vst v63  }
0x9b: {  	s0 =	simm.s32 $0x6  }
0x9c: {  	_ =	swait.ge [sflag:s0], $0x4000  }
0x9d: {  	[sflag:s0] =	ssyncset.done $0x0  }
0x9e: {  	s26 =	simm.s32 $0x7;
	[sflag:s0] =	ssyncadd.s32 $0xFFFFC000  }
0x9f: {  	_ =	swait.ge [sflag:s26], $0x4000  }
0xa0: {  	[sflag:s26] =	ssyncset.done $0x0  }
0xa1: {  	s28 =	simm.s32 $0x8;
	[sflag:s26] =	ssyncadd.s32 $0xFFFFC000  }
0xa2: {  	_ =	swait.ge [sflag:s28], $0x4000  }
0xa3: {  	[sflag:s28] =	ssyncset.done $0x0  }
0xa4: {  	[sflag:s28] =	ssyncadd.s32 $0xFFFFC000  }
0xa5: {  	_ =	swait.ge [sflag:s30], $0x4000  }
0xa6: {  	[sflag:s30] =	ssyncset.done $0x0  }
0xa7: {  	[sflag:s30] =	ssyncadd.s32 $0xFFFFC000  }
0xa8: {  	_ =	swait.ge [sflag:s31], $0x4000  }
0xa9: {  	s1 =	sadd.s32 $0x1, s1;
	s29 =	rddreg [dreg:$0x4]  }
0xaa: {  	p0 =	sne.s32 s1, s29  }
.Ltmp6:
0xab: {  	_ = 	snop;
	(pc) =	sbr.rel @p0 .LBB2_1-.Ltmp6, $3  }
0xac: {  	_ =	sdelay $0x1  }
0xad: {  	[sflag:s31] =	ssyncset.done $0x0  }
0xae: {  	[sflag:s31] =	ssyncadd.s32 $0xFFFFC000  }
0xaf: {  	_ =	sfence.sel $0x180000  }
0xb0: {  	[bflag:$0x0] =	sbarrier.arrive $0xFFFF  }
0xb1: {  	_ =	strace $0x90000047  }
0xb2: {  	s0 =	stileid.u32;
	[bflag:$0x2] =	sbarrier.arrive $0xFFFF  }
0xb3: {  	p0 =	sne.s32 s0, $0x0;
	s0 =	rddreg [dreg:$0x2]  }
0xb4: {  	s0 =	sadd.s32 @!p0 $0x100000, s0  }
0xb5: {  	[sflag:s0] =	ssyncadd.tile.s32 @!p0 $0x1;
	_ =	shalt  }
.Lfunc_end2:
_tile_overlayer_lowered:
.L_overlay_start_2:
0xb6: {  	(tag) =	ssettag $0x2  }
0xb7: {  	s0 =	rddreg [dreg:$0x0];
	s2 =	stileid.u32  }
0xb8: {  	s1 =	rddreg [dreg:$0x1];
	p0 =	sne.s32 s2, $0x0  }
0xb9: {  	s3 =	rddreg [dreg:$0x2];
	[bflag:$0x3] =	sbarrier.arrive $0xFFFF;
	s2 =	simm.s32 @!p0 $0x1C0B  }
0xba: {  	[timem:s3], [sflag:s2] =	dma.local @!p0 [hbm:s0], s1  }
0xbb: {  	s0 =	simm.s32 @!p0 $0xB  }
0xbc: {  	_ =	swait.ge @!p0 [sflag:s0], s1  }
0xbd: {  	s1 =	ssub.s32 @!p0 $0x0, s1;
	[sflag:s0] =	ssyncset.done @!p0 $0x0  }
0xbe: {  	[sflag:s0] =	ssyncadd.s32 @!p0 s1  }
0xbf: {  	[bflag:$0x3] =	sbarrier.arrive $0xFFFF  }
0xc0: {  	_ =	shalt  }

</sc_bundles>
